<compile_context>
chip_gen: v7x
topology: tpu7x:2x2x1
jax: 0.10.2.dev20260603
libtpu: 0.0.44.dev20260713+nightly
codegen_flags: <defaults>
</compile_context>

<pallas_src>
import functools

import jax
import jax.numpy as jnp
from jax import lax
from jax.experimental import pallas as pl
from jax.experimental.pallas import tpu as pltpu
from jax.experimental.pallas import tpu_sc as plsc

NUM_INPUTS = 20
BATCH = 16384
LANES = 16
NUM_WORKERS = 32
B_PER_W = BATCH // NUM_WORKERS
GCHUNK = 128
NCHUNK = B_PER_W // GCHUNK
GROUPS_PER_CHUNK = GCHUNK // LANES

PACK_GRID = 4
PACK_BLOCK = BATCH // PACK_GRID

_LOGIT_LO = -16.118095
_LOGIT_HI = 15.942385



def _pack_body(xt_ref, idx_ref):
  k = lax.broadcasted_iota(jnp.int32, (NUM_INPUTS, PACK_BLOCK), 0)
  bits = xt_ref[...].astype(jnp.int32) << (NUM_INPUTS - 1 - k)
  idx_ref[...] = jnp.sum(bits, axis=0)


_pack_indices = pl.pallas_call(
    _pack_body,
    grid=(PACK_GRID,),
    in_specs=[pl.BlockSpec((NUM_INPUTS, PACK_BLOCK), lambda i: (0, i))],
    out_specs=pl.BlockSpec((PACK_BLOCK,), lambda i: (i,)),
    out_shape=jax.ShapeDtypeStruct((BATCH,), jnp.int32),
)



def _gather_body(idx_hbm, lut_hbm, out_hbm, probs_hbm, logits_hbm,
                 idx_v, vals_v, out_v, probs_v, logits_v, semi, semg, semo):
  wid = lax.axis_index("s") * 2 + lax.axis_index("c")
  base = wid * B_PER_W

  pltpu.async_copy(idx_hbm.at[pl.ds(base, B_PER_W)], idx_v, semi).wait()

  gcopies = []
  for j in range(NCHUNK):
    gcopies.append(pltpu.async_copy(
        lut_hbm.at[idx_v.at[pl.ds(j * GCHUNK, GCHUNK)]],
        vals_v.at[pl.ds(j * GCHUNK, GCHUNK)], semg.at[j]))

  ocopies = []
  for j in range(NCHUNK):
    gcopies[j].wait()

    def tail_group(g, carry, j=j):
      off = pl.multiple_of(j * GCHUNK + g * LANES, LANES)
      gval = vals_v[pl.ds(off, LANES)]
      p = 1.0 / (1.0 + jnp.exp(-gval))
      out_v[pl.ds(off, LANES)] = jnp.where(
          p >= 0.5, jnp.float32(1.0), jnp.float32(0.0))
      probs_v[pl.ds(off, LANES)] = p
      logits_v[pl.ds(off, LANES)] = 5.0 * jnp.clip(gval, _LOGIT_LO, _LOGIT_HI)
      return carry

    lax.fori_loop(0, GROUPS_PER_CHUNK, tail_group, 0, unroll=2)
    src = pl.ds(j * GCHUNK, GCHUNK)
    dst = pl.ds(base + j * GCHUNK, GCHUNK)
    ocopies.append(pltpu.async_copy(out_v.at[src], out_hbm.at[dst],
                                    semo.at[3 * j]))
    ocopies.append(pltpu.async_copy(probs_v.at[src], probs_hbm.at[dst],
                                    semo.at[3 * j + 1]))
    ocopies.append(pltpu.async_copy(logits_v.at[src], logits_hbm.at[dst],
                                    semo.at[3 * j + 2]))
  for c in ocopies:
    c.wait()


_OUT = jax.ShapeDtypeStruct((BATCH,), jnp.float32)

_gather_sc = functools.partial(
    pl.kernel,
    out_type=(_OUT, _OUT, _OUT),
    mesh=plsc.VectorSubcoreMesh(core_axis_name="c", subcore_axis_name="s"),
    compiler_params=pltpu.CompilerParams(needs_layout_passes=False),
    scratch_types=[
        pltpu.VMEM((B_PER_W,), jnp.int32),
        pltpu.VMEM((B_PER_W,), jnp.float32),
        pltpu.VMEM((B_PER_W,), jnp.float32),
        pltpu.VMEM((B_PER_W,), jnp.float32),
        pltpu.VMEM((B_PER_W,), jnp.float32),
        pltpu.SemaphoreType.DMA,
        pltpu.SemaphoreType.DMA((NCHUNK,)),
        pltpu.SemaphoreType.DMA((3 * NCHUNK,)),
    ],
)(_gather_body)


@jax.jit
def kernel(x, lut_params):
  idx = _pack_indices(x.T)
  return _gather_sc(idx, lut_params)

# --- scband reference (transcript-rebuilt; emitter-appended) ---
"""Pipeline reference for scband-logic-unit-65644280152691 (READ-ONLY COPY).

The authoritative reference and input builder live on the scoring server;
editing this copy changes nothing except your own understanding.
"""

import jax, jax.numpy as jnp
import numpy as np

NUM_INPUTS = 20
NUM_COMB = 2 ** NUM_INPUTS
BATCH = 16384


def setup_inputs(seed: int = 0) -> dict:
    key = jax.random.key(seed)
    k1, k2 = jax.random.split(key)
    x = jax.random.randint(k1, (BATCH, NUM_INPUTS), 0, 2).astype(jnp.float32)
    lut_params = jax.random.normal(k2, (NUM_COMB,), dtype=jnp.float32)
    return {"x": x, "lut_params": lut_params}


def reference(x, lut_params):
    num_inputs = x.shape[1]
    powers = jnp.asarray(2 ** jnp.arange(num_inputs - 1, -1, -1), dtype=jnp.float32)
    indices = (x * powers).sum(axis=1).astype(jnp.int32)
    lut_probs = jax.nn.sigmoid(lut_params)
    selected_probs = jnp.take(lut_probs, indices, axis=0)
    hard = (selected_probs >= 0.5).astype(selected_probs.dtype)
    # Straight-through estimator: hard value in fwd, identity grad in bwd
    output = selected_probs + jax.lax.stop_gradient(hard - selected_probs)
    eps = 1e-07
    p = jnp.clip(selected_probs, eps, 1.0 - eps)
    prob_logits = jnp.log(p / (1.0 - p)) * 5.0
    return (output, selected_probs, prob_logits)

if __name__ == "__main__":
    import jax
    _d = setup_inputs()
    print(jax.jit(kernel)(*tuple(_d.values())))

</pallas_src>

<mosaic_0001>
#map = affine_map<(d0, d1) -> (0)>
module attributes {stable_mosaic.version = 14 : i64} {
  func.func @_gather_body(%arg0: i32, %arg1: i32, %arg2: memref<16384xi32, #tpu.memory_space<hbm>>, %arg3: memref<1048576xf32, #tpu.memory_space<hbm>>, %arg4: memref<16384xf32, #tpu.memory_space<hbm>>, %arg5: memref<16384xf32, #tpu.memory_space<hbm>>, %arg6: memref<16384xf32, #tpu.memory_space<hbm>>, %arg7: memref<512xi32, #tpu.memory_space<vmem>>, %arg8: memref<512xf32, #tpu.memory_space<vmem>>, %arg9: memref<512xf32, #tpu.memory_space<vmem>>, %arg10: memref<512xf32, #tpu.memory_space<vmem>>, %arg11: memref<512xf32, #tpu.memory_space<vmem>>, %arg12: memref<!tpu.dma_semaphore, #tpu.memory_space<semaphore_mem>>, %arg13: memref<4x!tpu.dma_semaphore, #tpu.memory_space<semaphore_mem>>, %arg14: memref<12x!tpu.dma_semaphore, #tpu.memory_space<semaphore_mem>>) attributes {dimension_semantics = [#tpu.dimension_semantics<core_parallel>, #tpu.dimension_semantics<subcore_parallel>], iteration_bounds = array<i64: 2, 16>, scalar_prefetch = 0 : i64, scratch_operands = 8 : i64, tpu.core_type = #tpu.core_type<sc_vector_subcore>, window_params = [{transform_indices = #map}, {transform_indices = #map}, {transform_indices = #map}, {transform_indices = #map}, {transform_indices = #map}]} {
    %mul3A = arith.constant 2 : i32
    %mul3A_0 = arith.muli %arg1, %mul3A : i32
    %add3A = arith.addi %mul3A_0, %arg0 : i32
    %mul3A_1 = arith.constant 512 : i32
    %mul3A_2 = arith.muli %add3A, %mul3A_1 : i32
    %dma_start3A = tpu.memref_slice %arg2[%mul3A_2] : memref<16384xi32, #tpu.memory_space<hbm>> -> memref<512xi32, #tpu.memory_space<hbm>>
    %dma_start3A_3 = tpu.memref_slice %arg2[%mul3A_2] : memref<16384xi32, #tpu.memory_space<hbm>> -> memref<512xi32, #tpu.memory_space<hbm>>
    tpu.enqueue_dma source(%dma_start3A_3 : memref<512xi32, #tpu.memory_space<hbm>>) target(%arg7 : memref<512xi32, #tpu.memory_space<vmem>>) target_semaphore(%arg12 : memref<!tpu.dma_semaphore, #tpu.memory_space<semaphore_mem>>)
    %dma_wait3A = tpu.memref_slice %arg2[%mul3A_2] : memref<16384xi32, #tpu.memory_space<hbm>> -> memref<512xi32, #tpu.memory_space<hbm>>
    %dma_wait3A_4 = tpu.memref_slice %arg2[%mul3A_2] : memref<16384xi32, #tpu.memory_space<hbm>> -> memref<512xi32, #tpu.memory_space<hbm>>
    tpu.wait_dma2 semaphore(%arg12 : memref<!tpu.dma_semaphore, #tpu.memory_space<semaphore_mem>>) src(%dma_wait3A_4 : memref<512xi32, #tpu.memory_space<hbm>>) dst(%arg7 : memref<512xi32, #tpu.memory_space<vmem>>)
    %dma_start3A_5 = arith.constant 0 : i32
    %dma_start3A_6 = arith.constant 0 : i32
    %dma_start3A_7 = tpu.memref_slice %arg8[%dma_start3A_6] : memref<512xf32, #tpu.memory_space<vmem>> -> memref<128xf32, #tpu.memory_space<vmem>>
    %dma_start3A_8 = arith.constant 0 : i32
    %dma_start3A_9 = tpu.memref_slice %arg7[%dma_start3A_8] : memref<512xi32, #tpu.memory_space<vmem>> -> memref<128xi32, #tpu.memory_space<vmem>>
    %dma_start3A_10 = arith.constant 0 : i32
    %dma_start3A_11 = tpu.memref_slice %arg3[%dma_start3A_10] : memref<1048576xf32, #tpu.memory_space<hbm>> -> memref<1048576xf32, #tpu.memory_space<hbm>>
    %dma_start3A_12 = tpu.memref_slice %arg13[%dma_start3A_5] : memref<4x!tpu.dma_semaphore, #tpu.memory_space<semaphore_mem>> -> memref<1x!tpu.dma_semaphore, #tpu.memory_space<semaphore_mem>>
    %dma_start3A_13 = tpu.memref_squeeze %dma_start3A_12 : memref<1x!tpu.dma_semaphore, #tpu.memory_space<semaphore_mem>> -> memref<!tpu.dma_semaphore, #tpu.memory_space<semaphore_mem>>
    tpu.enqueue_indirect_dma source(%dma_start3A_11 : memref<1048576xf32, #tpu.memory_space<hbm>>) target(%dma_start3A_7 : memref<128xf32, #tpu.memory_space<vmem>>) offsets(%dma_start3A_9 : memref<128xi32, #tpu.memory_space<vmem>>) semaphore(%dma_start3A_13 : memref<!tpu.dma_semaphore, #tpu.memory_space<semaphore_mem>>)
    %dma_start3A_14 = arith.constant 1 : i32
    %dma_start3A_15 = arith.constant 128 : i32
    %dma_start3A_16 = tpu.memref_slice %arg8[%dma_start3A_15] : memref<512xf32, #tpu.memory_space<vmem>> -> memref<128xf32, #tpu.memory_space<vmem>>
    %dma_start3A_17 = arith.constant 128 : i32
    %dma_start3A_18 = tpu.memref_slice %arg7[%dma_start3A_17] : memref<512xi32, #tpu.memory_space<vmem>> -> memref<128xi32, #tpu.memory_space<vmem>>
    %dma_start3A_19 = arith.constant 0 : i32
    %dma_start3A_20 = tpu.memref_slice %arg3[%dma_start3A_19] : memref<1048576xf32, #tpu.memory_space<hbm>> -> memref<1048576xf32, #tpu.memory_space<hbm>>
    %dma_start3A_21 = tpu.memref_slice %arg13[%dma_start3A_14] : memref<4x!tpu.dma_semaphore, #tpu.memory_space<semaphore_mem>> -> memref<1x!tpu.dma_semaphore, #tpu.memory_space<semaphore_mem>>
    %dma_start3A_22 = tpu.memref_squeeze %dma_start3A_21 : memref<1x!tpu.dma_semaphore, #tpu.memory_space<semaphore_mem>> -> memref<!tpu.dma_semaphore, #tpu.memory_space<semaphore_mem>>
    tpu.enqueue_indirect_dma source(%dma_start3A_20 : memref<1048576xf32, #tpu.memory_space<hbm>>) target(%dma_start3A_16 : memref<128xf32, #tpu.memory_space<vmem>>) offsets(%dma_start3A_18 : memref<128xi32, #tpu.memory_space<vmem>>) semaphore(%dma_start3A_22 : memref<!tpu.dma_semaphore, #tpu.memory_space<semaphore_mem>>)
    %dma_start3A_23 = arith.constant 2 : i32
    %dma_start3A_24 = arith.constant 256 : i32
    %dma_start3A_25 = tpu.memref_slice %arg8[%dma_start3A_24] : memref<512xf32, #tpu.memory_space<vmem>> -> memref<128xf32, #tpu.memory_space<vmem>>
    %dma_start3A_26 = arith.constant 256 : i32
    %dma_start3A_27 = tpu.memref_slice %arg7[%dma_start3A_26] : memref<512xi32, #tpu.memory_space<vmem>> -> memref<128xi32, #tpu.memory_space<vmem>>
    %dma_start3A_28 = arith.constant 0 : i32
    %dma_start3A_29 = tpu.memref_slice %arg3[%dma_start3A_28] : memref<1048576xf32, #tpu.memory_space<hbm>> -> memref<1048576xf32, #tpu.memory_space<hbm>>
    %dma_start3A_30 = tpu.memref_slice %arg13[%dma_start3A_23] : memref<4x!tpu.dma_semaphore, #tpu.memory_space<semaphore_mem>> -> memref<1x!tpu.dma_semaphore, #tpu.memory_space<semaphore_mem>>
    %dma_start3A_31 = tpu.memref_squeeze %dma_start3A_30 : memref<1x!tpu.dma_semaphore, #tpu.memory_space<semaphore_mem>> -> memref<!tpu.dma_semaphore, #tpu.memory_space<semaphore_mem>>
    tpu.enqueue_indirect_dma source(%dma_start3A_29 : memref<1048576xf32, #tpu.memory_space<hbm>>) target(%dma_start3A_25 : memref<128xf32, #tpu.memory_space<vmem>>) offsets(%dma_start3A_27 : memref<128xi32, #tpu.memory_space<vmem>>) semaphore(%dma_start3A_31 : memref<!tpu.dma_semaphore, #tpu.memory_space<semaphore_mem>>)
    %dma_start3A_32 = arith.constant 3 : i32
    %dma_start3A_33 = arith.constant 384 : i32
    %dma_start3A_34 = tpu.memref_slice %arg8[%dma_start3A_33] : memref<512xf32, #tpu.memory_space<vmem>> -> memref<128xf32, #tpu.memory_space<vmem>>
    %dma_start3A_35 = arith.constant 384 : i32
    %dma_start3A_36 = tpu.memref_slice %arg7[%dma_start3A_35] : memref<512xi32, #tpu.memory_space<vmem>> -> memref<128xi32, #tpu.memory_space<vmem>>
    %dma_start3A_37 = arith.constant 0 : i32
    %dma_start3A_38 = tpu.memref_slice %arg3[%dma_start3A_37] : memref<1048576xf32, #tpu.memory_space<hbm>> -> memref<1048576xf32, #tpu.memory_space<hbm>>
    %dma_start3A_39 = tpu.memref_slice %arg13[%dma_start3A_32] : memref<4x!tpu.dma_semaphore, #tpu.memory_space<semaphore_mem>> -> memref<1x!tpu.dma_semaphore, #tpu.memory_space<semaphore_mem>>
    %dma_start3A_40 = tpu.memref_squeeze %dma_start3A_39 : memref<1x!tpu.dma_semaphore, #tpu.memory_space<semaphore_mem>> -> memref<!tpu.dma_semaphore, #tpu.memory_space<semaphore_mem>>
    tpu.enqueue_indirect_dma source(%dma_start3A_38 : memref<1048576xf32, #tpu.memory_space<hbm>>) target(%dma_start3A_34 : memref<128xf32, #tpu.memory_space<vmem>>) offsets(%dma_start3A_36 : memref<128xi32, #tpu.memory_space<vmem>>) semaphore(%dma_start3A_40 : memref<!tpu.dma_semaphore, #tpu.memory_space<semaphore_mem>>)
    %dma_wait3A_41 = arith.constant 0 : i32
    %dma_wait3A_42 = arith.constant 0 : i32
    %dma_wait3A_43 = tpu.memref_slice %arg8[%dma_wait3A_42] : memref<512xf32, #tpu.memory_space<vmem>> -> memref<128xf32, #tpu.memory_space<vmem>>
    %dma_wait3A_44 = arith.constant 0 : i32
    %dma_wait3A_45 = tpu.memref_slice %arg7[%dma_wait3A_44] : memref<512xi32, #tpu.memory_space<vmem>> -> memref<128xi32, #tpu.memory_space<vmem>>
    %dma_wait3A_46 = arith.constant 0 : i32
    %dma_wait3A_47 = tpu.memref_slice %arg3[%dma_wait3A_46] : memref<1048576xf32, #tpu.memory_space<hbm>> -> memref<1048576xf32, #tpu.memory_space<hbm>>
    %dma_wait3A_48 = tpu.memref_slice %arg13[%dma_wait3A_41] : memref<4x!tpu.dma_semaphore, #tpu.memory_space<semaphore_mem>> -> memref<1x!tpu.dma_semaphore, #tpu.memory_space<semaphore_mem>>
    %dma_wait3A_49 = tpu.memref_squeeze %dma_wait3A_48 : memref<1x!tpu.dma_semaphore, #tpu.memory_space<semaphore_mem>> -> memref<!tpu.dma_semaphore, #tpu.memory_space<semaphore_mem>>
    tpu.wait_indirect_dma semaphore(%dma_wait3A_49 : memref<!tpu.dma_semaphore, #tpu.memory_space<semaphore_mem>>) src(%dma_wait3A_47 : memref<1048576xf32, #tpu.memory_space<hbm>>) dst(%dma_wait3A_43 : memref<128xf32, #tpu.memory_space<vmem>>)
    %scan3A = arith.constant 0 : i32
    %scan3A_50 = arith.constant 0 : i32
    %scan3A_51 = arith.constant 8 : i32
    %scan3A_52 = arith.addi %scan3A_50, %scan3A_51 : i32
    %scan3A_53 = arith.constant 2 : i32
    scf.for %scan3A_324 = %scan3A_50 to %scan3A_52 step %scan3A_53  : i32 {
      %mul3A_325 = arith.constant 16 : i32
      %mul3A_326 = arith.muli %scan3A_324, %mul3A_325 : i32
      %add3A_327 = arith.constant 0 : i32
      %add3A_328 = arith.addi %add3A_327, %mul3A_326 : i32
      %multiple_of3A = tpu.assume_multiple %add3A_328, 16 : i32
      %get3A = arith.index_cast %multiple_of3A : i32 to index
      %get3A_329 = tpu.vector_load %arg8[%get3A] {strides = array<i32>} : memref<512xf32, #tpu.memory_space<vmem>>, vector<16xf32>,
      %neg3A = arith.constant 0.000000e+00 : f32
      %neg3A_330 = vector.broadcast %neg3A : f32 to vector<16xf32>
      %neg3A_331 = arith.subf %neg3A_330, %get3A_329 : vector<16xf32>
      %exp3A = math.exp %neg3A_331 : vector<16xf32>
      %add3A_332 = arith.constant 1.000000e+00 : f32
      %add3A_333 = vector.broadcast %add3A_332 : f32 to vector<16xf32>
      %add3A_334 = arith.addf %add3A_333, %exp3A : vector<16xf32>
      %div3A = arith.constant 1.000000e+00 : f32
      %div3A_335 = vector.broadcast %div3A : f32 to vector<16xf32>
      %div3A_336 = arith.divf %div3A_335, %add3A_334 : vector<16xf32>
      %ge3A = arith.constant 5.000000e-01 : f32
      %ge3A_337 = vector.broadcast %ge3A : f32 to vector<16xf32>
      %ge3A_338 = arith.cmpf oge, %div3A_336, %ge3A_337 : vector<16xf32>
      %jit3A = arith.constant 1.000000e+00 : f32
      %jit3A_339 = arith.constant 0.000000e+00 : f32
      %broadcast_in_dim3A = vector.broadcast %jit3A : f32 to vector<16xf32>
      %broadcast_in_dim3A_340 = vector.broadcast %jit3A_339 : f32 to vector<16xf32>
      %select_n3A = arith.select %ge3A_338, %broadcast_in_dim3A, %broadcast_in_dim3A_340 : vector<16xi1>, vector<16xf32>
      %swap3A = arith.index_cast %multiple_of3A : i32 to index
      %swap3A_341 = tpu.vector_load %arg9[%swap3A] {strides = array<i32>} : memref<512xf32, #tpu.memory_space<vmem>>, vector<16xf32>,
      tpu.vector_store %arg9[%swap3A], %select_n3A {strides = array<i32>} : memref<512xf32, #tpu.memory_space<vmem>>, vector<16xf32>,
      %swap3A_342 = arith.index_cast %multiple_of3A : i32 to index
      %swap3A_343 = tpu.vector_load %arg10[%swap3A_342] {strides = array<i32>} : memref<512xf32, #tpu.memory_space<vmem>>, vector<16xf32>,
      tpu.vector_store %arg10[%swap3A_342], %div3A_336 {strides = array<i32>} : memref<512xf32, #tpu.memory_space<vmem>>, vector<16xf32>,
      %jit3A_344 = arith.constant -16.1180954 : f32
      %jit3A_345 = arith.constant 15.9423847 : f32
      %max3A = vector.broadcast %jit3A_344 : f32 to vector<16xf32>
      %max3A_346 = arith.maximumf %max3A, %get3A_329 : vector<16xf32>
      %min3A = vector.broadcast %jit3A_345 : f32 to vector<16xf32>
      %min3A_347 = arith.minimumf %min3A, %max3A_346 : vector<16xf32>
      %mul3A_348 = arith.constant 5.000000e+00 : f32
      %mul3A_349 = vector.broadcast %mul3A_348 : f32 to vector<16xf32>
      %mul3A_350 = arith.mulf %mul3A_349, %min3A_347 : vector<16xf32>
      %swap3A_351 = arith.index_cast %multiple_of3A : i32 to index
      %swap3A_352 = tpu.vector_load %arg11[%swap3A_351] {strides = array<i32>} : memref<512xf32, #tpu.memory_space<vmem>>, vector<16xf32>,
      tpu.vector_store %arg11[%swap3A_351], %mul3A_350 {strides = array<i32>} : memref<512xf32, #tpu.memory_space<vmem>>, vector<16xf32>,
      %scan3A_353 = arith.constant 1 : i32
      %scan3A_354 = arith.addi %scan3A_324, %scan3A_353 : i32
      %mul3A_355 = arith.constant 16 : i32
      %mul3A_356 = arith.muli %scan3A_354, %mul3A_355 : i32
      %add3A_357 = arith.constant 0 : i32
      %add3A_358 = arith.addi %add3A_357, %mul3A_356 : i32
      %multiple_of3A_359 = tpu.assume_multiple %add3A_358, 16 : i32
      %get3A_360 = arith.index_cast %multiple_of3A_359 : i32 to index
      %get3A_361 = tpu.vector_load %arg8[%get3A_360] {strides = array<i32>} : memref<512xf32, #tpu.memory_space<vmem>>, vector<16xf32>,
      %neg3A_362 = arith.constant 0.000000e+00 : f32
      %neg3A_363 = vector.broadcast %neg3A_362 : f32 to vector<16xf32>
      %neg3A_364 = arith.subf %neg3A_363, %get3A_361 : vector<16xf32>
      %exp3A_365 = math.exp %neg3A_364 : vector<16xf32>
      %add3A_366 = arith.constant 1.000000e+00 : f32
      %add3A_367 = vector.broadcast %add3A_366 : f32 to vector<16xf32>
      %add3A_368 = arith.addf %add3A_367, %exp3A_365 : vector<16xf32>
      %div3A_369 = arith.constant 1.000000e+00 : f32
      %div3A_370 = vector.broadcast %div3A_369 : f32 to vector<16xf32>
      %div3A_371 = arith.divf %div3A_370, %add3A_368 : vector<16xf32>
      %ge3A_372 = arith.constant 5.000000e-01 : f32
      %ge3A_373 = vector.broadcast %ge3A_372 : f32 to vector<16xf32>
      %ge3A_374 = arith.cmpf oge, %div3A_371, %ge3A_373 : vector<16xf32>
      %jit3A_375 = arith.constant 1.000000e+00 : f32
      %jit3A_376 = arith.constant 0.000000e+00 : f32
      %broadcast_in_dim3A_377 = vector.broadcast %jit3A_375 : f32 to vector<16xf32>
      %broadcast_in_dim3A_378 = vector.broadcast %jit3A_376 : f32 to vector<16xf32>
      %select_n3A_379 = arith.select %ge3A_374, %broadcast_in_dim3A_377, %broadcast_in_dim3A_378 : vector<16xi1>, vector<16xf32>
      %swap3A_380 = arith.index_cast %multiple_of3A_359 : i32 to index
      %swap3A_381 = tpu.vector_load %arg9[%swap3A_380] {strides = array<i32>} : memref<512xf32, #tpu.memory_space<vmem>>, vector<16xf32>,
      tpu.vector_store %arg9[%swap3A_380], %select_n3A_379 {strides = array<i32>} : memref<512xf32, #tpu.memory_space<vmem>>, vector<16xf32>,
      %swap3A_382 = arith.index_cast %multiple_of3A_359 : i32 to index
      %swap3A_383 = tpu.vector_load %arg10[%swap3A_382] {strides = array<i32>} : memref<512xf32, #tpu.memory_space<vmem>>, vector<16xf32>,
      tpu.vector_store %arg10[%swap3A_382], %div3A_371 {strides = array<i32>} : memref<512xf32, #tpu.memory_space<vmem>>, vector<16xf32>,
      %jit3A_384 = arith.constant -16.1180954 : f32
      %jit3A_385 = arith.constant 15.9423847 : f32
      %max3A_386 = vector.broadcast %jit3A_384 : f32 to vector<16xf32>
      %max3A_387 = arith.maximumf %max3A_386, %get3A_361 : vector<16xf32>
      %min3A_388 = vector.broadcast %jit3A_385 : f32 to vector<16xf32>
      %min3A_389 = arith.minimumf %min3A_388, %max3A_387 : vector<16xf32>
      %mul3A_390 = arith.constant 5.000000e+00 : f32
      %mul3A_391 = vector.broadcast %mul3A_390 : f32 to vector<16xf32>
      %mul3A_392 = arith.mulf %mul3A_391, %min3A_389 : vector<16xf32>
      %swap3A_393 = arith.index_cast %multiple_of3A_359 : i32 to index
      %swap3A_394 = tpu.vector_load %arg11[%swap3A_393] {strides = array<i32>} : memref<512xf32, #tpu.memory_space<vmem>>, vector<16xf32>,
      tpu.vector_store %arg11[%swap3A_393], %mul3A_392 {strides = array<i32>} : memref<512xf32, #tpu.memory_space<vmem>>, vector<16xf32>,
    }
    %scan3A_54 = arith.constant 8 : i32
    %add3A_55 = arith.constant 0 : i32
    %add3A_56 = arith.addi %mul3A_2, %add3A_55 : i32
    %dma_start3A_57 = arith.constant 0 : i32
    %dma_start3A_58 = arith.constant 0 : i32
    %dma_start3A_59 = tpu.memref_slice %arg9[%dma_start3A_58] : memref<512xf32, #tpu.memory_space<vmem>> -> memref<128xf32, #tpu.memory_space<vmem>>
    %dma_start3A_60 = tpu.memref_slice %arg4[%add3A_56] : memref<16384xf32, #tpu.memory_space<hbm>> -> memref<128xf32, #tpu.memory_space<hbm>>
    %dma_start3A_61 = tpu.memref_slice %arg14[%dma_start3A_57] : memref<12x!tpu.dma_semaphore, #tpu.memory_space<semaphore_mem>> -> memref<1x!tpu.dma_semaphore, #tpu.memory_space<semaphore_mem>>
    %dma_start3A_62 = tpu.memref_squeeze %dma_start3A_61 : memref<1x!tpu.dma_semaphore, #tpu.memory_space<semaphore_mem>> -> memref<!tpu.dma_semaphore, #tpu.memory_space<semaphore_mem>>
    %dma_start3A_63 = tpu.memref_slice %arg4[%add3A_56] : memref<16384xf32, #tpu.memory_space<hbm>> -> memref<128xf32, #tpu.memory_space<hbm>>
    %dma_start3A_64 = arith.constant 0 : i32
    %dma_start3A_65 = tpu.memref_slice %arg9[%dma_start3A_64] : memref<512xf32, #tpu.memory_space<vmem>> -> memref<128xf32, #tpu.memory_space<vmem>>
    tpu.enqueue_dma source(%dma_start3A_65 : memref<128xf32, #tpu.memory_space<vmem>>) target(%dma_start3A_63 : memref<128xf32, #tpu.memory_space<hbm>>) target_semaphore(%dma_start3A_62 : memref<!tpu.dma_semaphore, #tpu.memory_space<semaphore_mem>>)
    %dma_start3A_66 = arith.constant 1 : i32
    %dma_start3A_67 = arith.constant 0 : i32
    %dma_start3A_68 = tpu.memref_slice %arg10[%dma_start3A_67] : memref<512xf32, #tpu.memory_space<vmem>> -> memref<128xf32, #tpu.memory_space<vmem>>
    %dma_start3A_69 = tpu.memref_slice %arg5[%add3A_56] : memref<16384xf32, #tpu.memory_space<hbm>> -> memref<128xf32, #tpu.memory_space<hbm>>
    %dma_start3A_70 = tpu.memref_slice %arg14[%dma_start3A_66] : memref<12x!tpu.dma_semaphore, #tpu.memory_space<semaphore_mem>> -> memref<1x!tpu.dma_semaphore, #tpu.memory_space<semaphore_mem>>
    %dma_start3A_71 = tpu.memref_squeeze %dma_start3A_70 : memref<1x!tpu.dma_semaphore, #tpu.memory_space<semaphore_mem>> -> memref<!tpu.dma_semaphore, #tpu.memory_space<semaphore_mem>>
    %dma_start3A_72 = tpu.memref_slice %arg5[%add3A_56] : memref<16384xf32, #tpu.memory_space<hbm>> -> memref<128xf32, #tpu.memory_space<hbm>>
    %dma_start3A_73 = arith.constant 0 : i32
    %dma_start3A_74 = tpu.memref_slice %arg10[%dma_start3A_73] : memref<512xf32, #tpu.memory_space<vmem>> -> memref<128xf32, #tpu.memory_space<vmem>>
    tpu.enqueue_dma source(%dma_start3A_74 : memref<128xf32, #tpu.memory_space<vmem>>) target(%dma_start3A_72 : memref<128xf32, #tpu.memory_space<hbm>>) target_semaphore(%dma_start3A_71 : memref<!tpu.dma_semaphore, #tpu.memory_space<semaphore_mem>>)
    %dma_start3A_75 = arith.constant 2 : i32
    %dma_start3A_76 = arith.constant 0 : i32
    %dma_start3A_77 = tpu.memref_slice %arg11[%dma_start3A_76] : memref<512xf32, #tpu.memory_space<vmem>> -> memref<128xf32, #tpu.memory_space<vmem>>
    %dma_start3A_78 = tpu.memref_slice %arg6[%add3A_56] : memref<16384xf32, #tpu.memory_space<hbm>> -> memref<128xf32, #tpu.memory_space<hbm>>
    %dma_start3A_79 = tpu.memref_slice %arg14[%dma_start3A_75] : memref<12x!tpu.dma_semaphore, #tpu.memory_space<semaphore_mem>> -> memref<1x!tpu.dma_semaphore, #tpu.memory_space<semaphore_mem>>
    %dma_start3A_80 = tpu.memref_squeeze %dma_start3A_79 : memref<1x!tpu.dma_semaphore, #tpu.memory_space<semaphore_mem>> -> memref<!tpu.dma_semaphore, #tpu.memory_space<semaphore_mem>>
    %dma_start3A_81 = tpu.memref_slice %arg6[%add3A_56] : memref<16384xf32, #tpu.memory_space<hbm>> -> memref<128xf32, #tpu.memory_space<hbm>>
    %dma_start3A_82 = arith.constant 0 : i32
    %dma_start3A_83 = tpu.memref_slice %arg11[%dma_start3A_82] : memref<512xf32, #tpu.memory_space<vmem>> -> memref<128xf32, #tpu.memory_space<vmem>>
    tpu.enqueue_dma source(%dma_start3A_83 : memref<128xf32, #tpu.memory_space<vmem>>) target(%dma_start3A_81 : memref<128xf32, #tpu.memory_space<hbm>>) target_semaphore(%dma_start3A_80 : memref<!tpu.dma_semaphore, #tpu.memory_space<semaphore_mem>>)
    %dma_wait3A_84 = arith.constant 1 : i32
    %dma_wait3A_85 = arith.constant 128 : i32
    %dma_wait3A_86 = tpu.memref_slice %arg8[%dma_wait3A_85] : memref<512xf32, #tpu.memory_space<vmem>> -> memref<128xf32, #tpu.memory_space<vmem>>
    %dma_wait3A_87 = arith.constant 128 : i32
    %dma_wait3A_88 = tpu.memref_slice %arg7[%dma_wait3A_87] : memref<512xi32, #tpu.memory_space<vmem>> -> memref<128xi32, #tpu.memory_space<vmem>>
    %dma_wait3A_89 = arith.constant 0 : i32
    %dma_wait3A_90 = tpu.memref_slice %arg3[%dma_wait3A_89] : memref<1048576xf32, #tpu.memory_space<hbm>> -> memref<1048576xf32, #tpu.memory_space<hbm>>
    %dma_wait3A_91 = tpu.memref_slice %arg13[%dma_wait3A_84] : memref<4x!tpu.dma_semaphore, #tpu.memory_space<semaphore_mem>> -> memref<1x!tpu.dma_semaphore, #tpu.memory_space<semaphore_mem>>
    %dma_wait3A_92 = tpu.memref_squeeze %dma_wait3A_91 : memref<1x!tpu.dma_semaphore, #tpu.memory_space<semaphore_mem>> -> memref<!tpu.dma_semaphore, #tpu.memory_space<semaphore_mem>>
    tpu.wait_indirect_dma semaphore(%dma_wait3A_92 : memref<!tpu.dma_semaphore, #tpu.memory_space<semaphore_mem>>) src(%dma_wait3A_90 : memref<1048576xf32, #tpu.memory_space<hbm>>) dst(%dma_wait3A_86 : memref<128xf32, #tpu.memory_space<vmem>>)
    %scan3A_93 = arith.constant 0 : i32
    %scan3A_94 = arith.constant 0 : i32
    %scan3A_95 = arith.constant 8 : i32
    %scan3A_96 = arith.addi %scan3A_94, %scan3A_95 : i32
    %scan3A_97 = arith.constant 2 : i32
    scf.for %scan3A_324 = %scan3A_94 to %scan3A_96 step %scan3A_97  : i32 {
      %mul3A_325 = arith.constant 16 : i32
      %mul3A_326 = arith.muli %scan3A_324, %mul3A_325 : i32
      %add3A_327 = arith.constant 128 : i32
      %add3A_328 = arith.addi %add3A_327, %mul3A_326 : i32
      %multiple_of3A = tpu.assume_multiple %add3A_328, 16 : i32
      %get3A = arith.index_cast %multiple_of3A : i32 to index
      %get3A_329 = tpu.vector_load %arg8[%get3A] {strides = array<i32>} : memref<512xf32, #tpu.memory_space<vmem>>, vector<16xf32>,
      %neg3A = arith.constant 0.000000e+00 : f32
      %neg3A_330 = vector.broadcast %neg3A : f32 to vector<16xf32>
      %neg3A_331 = arith.subf %neg3A_330, %get3A_329 : vector<16xf32>
      %exp3A = math.exp %neg3A_331 : vector<16xf32>
      %add3A_332 = arith.constant 1.000000e+00 : f32
      %add3A_333 = vector.broadcast %add3A_332 : f32 to vector<16xf32>
      %add3A_334 = arith.addf %add3A_333, %exp3A : vector<16xf32>
      %div3A = arith.constant 1.000000e+00 : f32
      %div3A_335 = vector.broadcast %div3A : f32 to vector<16xf32>
      %div3A_336 = arith.divf %div3A_335, %add3A_334 : vector<16xf32>
      %ge3A = arith.constant 5.000000e-01 : f32
      %ge3A_337 = vector.broadcast %ge3A : f32 to vector<16xf32>
      %ge3A_338 = arith.cmpf oge, %div3A_336, %ge3A_337 : vector<16xf32>
      %jit3A = arith.constant 1.000000e+00 : f32
      %jit3A_339 = arith.constant 0.000000e+00 : f32
      %broadcast_in_dim3A = vector.broadcast %jit3A : f32 to vector<16xf32>
      %broadcast_in_dim3A_340 = vector.broadcast %jit3A_339 : f32 to vector<16xf32>
      %select_n3A = arith.select %ge3A_338, %broadcast_in_dim3A, %broadcast_in_dim3A_340 : vector<16xi1>, vector<16xf32>
      %swap3A = arith.index_cast %multiple_of3A : i32 to index
      %swap3A_341 = tpu.vector_load %arg9[%swap3A] {strides = array<i32>} : memref<512xf32, #tpu.memory_space<vmem>>, vector<16xf32>,
      tpu.vector_store %arg9[%swap3A], %select_n3A {strides = array<i32>} : memref<512xf32, #tpu.memory_space<vmem>>, vector<16xf32>,
      %swap3A_342 = arith.index_cast %multiple_of3A : i32 to index
      %swap3A_343 = tpu.vector_load %arg10[%swap3A_342] {strides = array<i32>} : memref<512xf32, #tpu.memory_space<vmem>>, vector<16xf32>,
      tpu.vector_store %arg10[%swap3A_342], %div3A_336 {strides = array<i32>} : memref<512xf32, #tpu.memory_space<vmem>>, vector<16xf32>,
      %jit3A_344 = arith.constant -16.1180954 : f32
      %jit3A_345 = arith.constant 15.9423847 : f32
      %max3A = vector.broadcast %jit3A_344 : f32 to vector<16xf32>
      %max3A_346 = arith.maximumf %max3A, %get3A_329 : vector<16xf32>
      %min3A = vector.broadcast %jit3A_345 : f32 to vector<16xf32>
      %min3A_347 = arith.minimumf %min3A, %max3A_346 : vector<16xf32>
      %mul3A_348 = arith.constant 5.000000e+00 : f32
      %mul3A_349 = vector.broadcast %mul3A_348 : f32 to vector<16xf32>
      %mul3A_350 = arith.mulf %mul3A_349, %min3A_347 : vector<16xf32>
      %swap3A_351 = arith.index_cast %multiple_of3A : i32 to index
      %swap3A_352 = tpu.vector_load %arg11[%swap3A_351] {strides = array<i32>} : memref<512xf32, #tpu.memory_space<vmem>>, vector<16xf32>,
      tpu.vector_store %arg11[%swap3A_351], %mul3A_350 {strides = array<i32>} : memref<512xf32, #tpu.memory_space<vmem>>, vector<16xf32>,
      %scan3A_353 = arith.constant 1 : i32
      %scan3A_354 = arith.addi %scan3A_324, %scan3A_353 : i32
      %mul3A_355 = arith.constant 16 : i32
      %mul3A_356 = arith.muli %scan3A_354, %mul3A_355 : i32
      %add3A_357 = arith.constant 128 : i32
      %add3A_358 = arith.addi %add3A_357, %mul3A_356 : i32
      %multiple_of3A_359 = tpu.assume_multiple %add3A_358, 16 : i32
      %get3A_360 = arith.index_cast %multiple_of3A_359 : i32 to index
      %get3A_361 = tpu.vector_load %arg8[%get3A_360] {strides = array<i32>} : memref<512xf32, #tpu.memory_space<vmem>>, vector<16xf32>,
      %neg3A_362 = arith.constant 0.000000e+00 : f32
      %neg3A_363 = vector.broadcast %neg3A_362 : f32 to vector<16xf32>
      %neg3A_364 = arith.subf %neg3A_363, %get3A_361 : vector<16xf32>
      %exp3A_365 = math.exp %neg3A_364 : vector<16xf32>
      %add3A_366 = arith.constant 1.000000e+00 : f32
      %add3A_367 = vector.broadcast %add3A_366 : f32 to vector<16xf32>
      %add3A_368 = arith.addf %add3A_367, %exp3A_365 : vector<16xf32>
      %div3A_369 = arith.constant 1.000000e+00 : f32
      %div3A_370 = vector.broadcast %div3A_369 : f32 to vector<16xf32>
      %div3A_371 = arith.divf %div3A_370, %add3A_368 : vector<16xf32>
      %ge3A_372 = arith.constant 5.000000e-01 : f32
      %ge3A_373 = vector.broadcast %ge3A_372 : f32 to vector<16xf32>
      %ge3A_374 = arith.cmpf oge, %div3A_371, %ge3A_373 : vector<16xf32>
      %jit3A_375 = arith.constant 1.000000e+00 : f32
      %jit3A_376 = arith.constant 0.000000e+00 : f32
      %broadcast_in_dim3A_377 = vector.broadcast %jit3A_375 : f32 to vector<16xf32>
      %broadcast_in_dim3A_378 = vector.broadcast %jit3A_376 : f32 to vector<16xf32>
      %select_n3A_379 = arith.select %ge3A_374, %broadcast_in_dim3A_377, %broadcast_in_dim3A_378 : vector<16xi1>, vector<16xf32>
      %swap3A_380 = arith.index_cast %multiple_of3A_359 : i32 to index
      %swap3A_381 = tpu.vector_load %arg9[%swap3A_380] {strides = array<i32>} : memref<512xf32, #tpu.memory_space<vmem>>, vector<16xf32>,
      tpu.vector_store %arg9[%swap3A_380], %select_n3A_379 {strides = array<i32>} : memref<512xf32, #tpu.memory_space<vmem>>, vector<16xf32>,
      %swap3A_382 = arith.index_cast %multiple_of3A_359 : i32 to index
      %swap3A_383 = tpu.vector_load %arg10[%swap3A_382] {strides = array<i32>} : memref<512xf32, #tpu.memory_space<vmem>>, vector<16xf32>,
      tpu.vector_store %arg10[%swap3A_382], %div3A_371 {strides = array<i32>} : memref<512xf32, #tpu.memory_space<vmem>>, vector<16xf32>,
      %jit3A_384 = arith.constant -16.1180954 : f32
      %jit3A_385 = arith.constant 15.9423847 : f32
      %max3A_386 = vector.broadcast %jit3A_384 : f32 to vector<16xf32>
      %max3A_387 = arith.maximumf %max3A_386, %get3A_361 : vector<16xf32>
      %min3A_388 = vector.broadcast %jit3A_385 : f32 to vector<16xf32>
      %min3A_389 = arith.minimumf %min3A_388, %max3A_387 : vector<16xf32>
      %mul3A_390 = arith.constant 5.000000e+00 : f32
      %mul3A_391 = vector.broadcast %mul3A_390 : f32 to vector<16xf32>
      %mul3A_392 = arith.mulf %mul3A_391, %min3A_389 : vector<16xf32>
      %swap3A_393 = arith.index_cast %multiple_of3A_359 : i32 to index
      %swap3A_394 = tpu.vector_load %arg11[%swap3A_393] {strides = array<i32>} : memref<512xf32, #tpu.memory_space<vmem>>, vector<16xf32>,
      tpu.vector_store %arg11[%swap3A_393], %mul3A_392 {strides = array<i32>} : memref<512xf32, #tpu.memory_space<vmem>>, vector<16xf32>,
    }
    %scan3A_98 = arith.constant 8 : i32
    %add3A_99 = arith.constant 128 : i32
    %add3A_100 = arith.addi %mul3A_2, %add3A_99 : i32
    %dma_start3A_101 = arith.constant 3 : i32
    %dma_start3A_102 = arith.constant 128 : i32
    %dma_start3A_103 = tpu.memref_slice %arg9[%dma_start3A_102] : memref<512xf32, #tpu.memory_space<vmem>> -> memref<128xf32, #tpu.memory_space<vmem>>
    %dma_start3A_104 = tpu.memref_slice %arg4[%add3A_100] : memref<16384xf32, #tpu.memory_space<hbm>> -> memref<128xf32, #tpu.memory_space<hbm>>
    %dma_start3A_105 = tpu.memref_slice %arg14[%dma_start3A_101] : memref<12x!tpu.dma_semaphore, #tpu.memory_space<semaphore_mem>> -> memref<1x!tpu.dma_semaphore, #tpu.memory_space<semaphore_mem>>
    %dma_start3A_106 = tpu.memref_squeeze %dma_start3A_105 : memref<1x!tpu.dma_semaphore, #tpu.memory_space<semaphore_mem>> -> memref<!tpu.dma_semaphore, #tpu.memory_space<semaphore_mem>>
    %dma_start3A_107 = tpu.memref_slice %arg4[%add3A_100] : memref<16384xf32, #tpu.memory_space<hbm>> -> memref<128xf32, #tpu.memory_space<hbm>>
    %dma_start3A_108 = arith.constant 128 : i32
    %dma_start3A_109 = tpu.memref_slice %arg9[%dma_start3A_108] : memref<512xf32, #tpu.memory_space<vmem>> -> memref<128xf32, #tpu.memory_space<vmem>>
    tpu.enqueue_dma source(%dma_start3A_109 : memref<128xf32, #tpu.memory_space<vmem>>) target(%dma_start3A_107 : memref<128xf32, #tpu.memory_space<hbm>>) target_semaphore(%dma_start3A_106 : memref<!tpu.dma_semaphore, #tpu.memory_space<semaphore_mem>>)
    %dma_start3A_110 = arith.constant 4 : i32
    %dma_start3A_111 = arith.constant 128 : i32
    %dma_start3A_112 = tpu.memref_slice %arg10[%dma_start3A_111] : memref<512xf32, #tpu.memory_space<vmem>> -> memref<128xf32, #tpu.memory_space<vmem>>
    %dma_start3A_113 = tpu.memref_slice %arg5[%add3A_100] : memref<16384xf32, #tpu.memory_space<hbm>> -> memref<128xf32, #tpu.memory_space<hbm>>
    %dma_start3A_114 = tpu.memref_slice %arg14[%dma_start3A_110] : memref<12x!tpu.dma_semaphore, #tpu.memory_space<semaphore_mem>> -> memref<1x!tpu.dma_semaphore, #tpu.memory_space<semaphore_mem>>
    %dma_start3A_115 = tpu.memref_squeeze %dma_start3A_114 : memref<1x!tpu.dma_semaphore, #tpu.memory_space<semaphore_mem>> -> memref<!tpu.dma_semaphore, #tpu.memory_space<semaphore_mem>>
    %dma_start3A_116 = tpu.memref_slice %arg5[%add3A_100] : memref<16384xf32, #tpu.memory_space<hbm>> -> memref<128xf32, #tpu.memory_space<hbm>>
    %dma_start3A_117 = arith.constant 128 : i32
    %dma_start3A_118 = tpu.memref_slice %arg10[%dma_start3A_117] : memref<512xf32, #tpu.memory_space<vmem>> -> memref<128xf32, #tpu.memory_space<vmem>>
    tpu.enqueue_dma source(%dma_start3A_118 : memref<128xf32, #tpu.memory_space<vmem>>) target(%dma_start3A_116 : memref<128xf32, #tpu.memory_space<hbm>>) target_semaphore(%dma_start3A_115 : memref<!tpu.dma_semaphore, #tpu.memory_space<semaphore_mem>>)
    %dma_start3A_119 = arith.constant 5 : i32
    %dma_start3A_120 = arith.constant 128 : i32
    %dma_start3A_121 = tpu.memref_slice %arg11[%dma_start3A_120] : memref<512xf32, #tpu.memory_space<vmem>> -> memref<128xf32, #tpu.memory_space<vmem>>
    %dma_start3A_122 = tpu.memref_slice %arg6[%add3A_100] : memref<16384xf32, #tpu.memory_space<hbm>> -> memref<128xf32, #tpu.memory_space<hbm>>
    %dma_start3A_123 = tpu.memref_slice %arg14[%dma_start3A_119] : memref<12x!tpu.dma_semaphore, #tpu.memory_space<semaphore_mem>> -> memref<1x!tpu.dma_semaphore, #tpu.memory_space<semaphore_mem>>
    %dma_start3A_124 = tpu.memref_squeeze %dma_start3A_123 : memref<1x!tpu.dma_semaphore, #tpu.memory_space<semaphore_mem>> -> memref<!tpu.dma_semaphore, #tpu.memory_space<semaphore_mem>>
    %dma_start3A_125 = tpu.memref_slice %arg6[%add3A_100] : memref<16384xf32, #tpu.memory_space<hbm>> -> memref<128xf32, #tpu.memory_space<hbm>>
    %dma_start3A_126 = arith.constant 128 : i32
    %dma_start3A_127 = tpu.memref_slice %arg11[%dma_start3A_126] : memref<512xf32, #tpu.memory_space<vmem>> -> memref<128xf32, #tpu.memory_space<vmem>>
    tpu.enqueue_dma source(%dma_start3A_127 : memref<128xf32, #tpu.memory_space<vmem>>) target(%dma_start3A_125 : memref<128xf32, #tpu.memory_space<hbm>>) target_semaphore(%dma_start3A_124 : memref<!tpu.dma_semaphore, #tpu.memory_space<semaphore_mem>>)
    %dma_wait3A_128 = arith.constant 2 : i32
    %dma_wait3A_129 = arith.constant 256 : i32
    %dma_wait3A_130 = tpu.memref_slice %arg8[%dma_wait3A_129] : memref<512xf32, #tpu.memory_space<vmem>> -> memref<128xf32, #tpu.memory_space<vmem>>
    %dma_wait3A_131 = arith.constant 256 : i32
    %dma_wait3A_132 = tpu.memref_slice %arg7[%dma_wait3A_131] : memref<512xi32, #tpu.memory_space<vmem>> -> memref<128xi32, #tpu.memory_space<vmem>>
    %dma_wait3A_133 = arith.constant 0 : i32
    %dma_wait3A_134 = tpu.memref_slice %arg3[%dma_wait3A_133] : memref<1048576xf32, #tpu.memory_space<hbm>> -> memref<1048576xf32, #tpu.memory_space<hbm>>
    %dma_wait3A_135 = tpu.memref_slice %arg13[%dma_wait3A_128] : memref<4x!tpu.dma_semaphore, #tpu.memory_space<semaphore_mem>> -> memref<1x!tpu.dma_semaphore, #tpu.memory_space<semaphore_mem>>
    %dma_wait3A_136 = tpu.memref_squeeze %dma_wait3A_135 : memref<1x!tpu.dma_semaphore, #tpu.memory_space<semaphore_mem>> -> memref<!tpu.dma_semaphore, #tpu.memory_space<semaphore_mem>>
    tpu.wait_indirect_dma semaphore(%dma_wait3A_136 : memref<!tpu.dma_semaphore, #tpu.memory_space<semaphore_mem>>) src(%dma_wait3A_134 : memref<1048576xf32, #tpu.memory_space<hbm>>) dst(%dma_wait3A_130 : memref<128xf32, #tpu.memory_space<vmem>>)
    %scan3A_137 = arith.constant 0 : i32
    %scan3A_138 = arith.constant 0 : i32
    %scan3A_139 = arith.constant 8 : i32
    %scan3A_140 = arith.addi %scan3A_138, %scan3A_139 : i32
    %scan3A_141 = arith.constant 2 : i32
    scf.for %scan3A_324 = %scan3A_138 to %scan3A_140 step %scan3A_141  : i32 {
      %mul3A_325 = arith.constant 16 : i32
      %mul3A_326 = arith.muli %scan3A_324, %mul3A_325 : i32
      %add3A_327 = arith.constant 256 : i32
      %add3A_328 = arith.addi %add3A_327, %mul3A_326 : i32
      %multiple_of3A = tpu.assume_multiple %add3A_328, 16 : i32
      %get3A = arith.index_cast %multiple_of3A : i32 to index
      %get3A_329 = tpu.vector_load %arg8[%get3A] {strides = array<i32>} : memref<512xf32, #tpu.memory_space<vmem>>, vector<16xf32>,
      %neg3A = arith.constant 0.000000e+00 : f32
      %neg3A_330 = vector.broadcast %neg3A : f32 to vector<16xf32>
      %neg3A_331 = arith.subf %neg3A_330, %get3A_329 : vector<16xf32>
      %exp3A = math.exp %neg3A_331 : vector<16xf32>
      %add3A_332 = arith.constant 1.000000e+00 : f32
      %add3A_333 = vector.broadcast %add3A_332 : f32 to vector<16xf32>
      %add3A_334 = arith.addf %add3A_333, %exp3A : vector<16xf32>
      %div3A = arith.constant 1.000000e+00 : f32
      %div3A_335 = vector.broadcast %div3A : f32 to vector<16xf32>
      %div3A_336 = arith.divf %div3A_335, %add3A_334 : vector<16xf32>
      %ge3A = arith.constant 5.000000e-01 : f32
      %ge3A_337 = vector.broadcast %ge3A : f32 to vector<16xf32>
      %ge3A_338 = arith.cmpf oge, %div3A_336, %ge3A_337 : vector<16xf32>
      %jit3A = arith.constant 1.000000e+00 : f32
      %jit3A_339 = arith.constant 0.000000e+00 : f32
      %broadcast_in_dim3A = vector.broadcast %jit3A : f32 to vector<16xf32>
      %broadcast_in_dim3A_340 = vector.broadcast %jit3A_339 : f32 to vector<16xf32>
      %select_n3A = arith.select %ge3A_338, %broadcast_in_dim3A, %broadcast_in_dim3A_340 : vector<16xi1>, vector<16xf32>
      %swap3A = arith.index_cast %multiple_of3A : i32 to index
      %swap3A_341 = tpu.vector_load %arg9[%swap3A] {strides = array<i32>} : memref<512xf32, #tpu.memory_space<vmem>>, vector<16xf32>,
      tpu.vector_store %arg9[%swap3A], %select_n3A {strides = array<i32>} : memref<512xf32, #tpu.memory_space<vmem>>, vector<16xf32>,
      %swap3A_342 = arith.index_cast %multiple_of3A : i32 to index
      %swap3A_343 = tpu.vector_load %arg10[%swap3A_342] {strides = array<i32>} : memref<512xf32, #tpu.memory_space<vmem>>, vector<16xf32>,
      tpu.vector_store %arg10[%swap3A_342], %div3A_336 {strides = array<i32>} : memref<512xf32, #tpu.memory_space<vmem>>, vector<16xf32>,
      %jit3A_344 = arith.constant -16.1180954 : f32
      %jit3A_345 = arith.constant 15.9423847 : f32
      %max3A = vector.broadcast %jit3A_344 : f32 to vector<16xf32>
      %max3A_346 = arith.maximumf %max3A, %get3A_329 : vector<16xf32>
      %min3A = vector.broadcast %jit3A_345 : f32 to vector<16xf32>
      %min3A_347 = arith.minimumf %min3A, %max3A_346 : vector<16xf32>
      %mul3A_348 = arith.constant 5.000000e+00 : f32
      %mul3A_349 = vector.broadcast %mul3A_348 : f32 to vector<16xf32>
      %mul3A_350 = arith.mulf %mul3A_349, %min3A_347 : vector<16xf32>
      %swap3A_351 = arith.index_cast %multiple_of3A : i32 to index
      %swap3A_352 = tpu.vector_load %arg11[%swap3A_351] {strides = array<i32>} : memref<512xf32, #tpu.memory_space<vmem>>, vector<16xf32>,
      tpu.vector_store %arg11[%swap3A_351], %mul3A_350 {strides = array<i32>} : memref<512xf32, #tpu.memory_space<vmem>>, vector<16xf32>,
      %scan3A_353 = arith.constant 1 : i32
      %scan3A_354 = arith.addi %scan3A_324, %scan3A_353 : i32
      %mul3A_355 = arith.constant 16 : i32
      %mul3A_356 = arith.muli %scan3A_354, %mul3A_355 : i32
      %add3A_357 = arith.constant 256 : i32
      %add3A_358 = arith.addi %add3A_357, %mul3A_356 : i32
      %multiple_of3A_359 = tpu.assume_multiple %add3A_358, 16 : i32
      %get3A_360 = arith.index_cast %multiple_of3A_359 : i32 to index
      %get3A_361 = tpu.vector_load %arg8[%get3A_360] {strides = array<i32>} : memref<512xf32, #tpu.memory_space<vmem>>, vector<16xf32>,
      %neg3A_362 = arith.constant 0.000000e+00 : f32
      %neg3A_363 = vector.broadcast %neg3A_362 : f32 to vector<16xf32>
      %neg3A_364 = arith.subf %neg3A_363, %get3A_361 : vector<16xf32>
      %exp3A_365 = math.exp %neg3A_364 : vector<16xf32>
      %add3A_366 = arith.constant 1.000000e+00 : f32
      %add3A_367 = vector.broadcast %add3A_366 : f32 to vector<16xf32>
      %add3A_368 = arith.addf %add3A_367, %exp3A_365 : vector<16xf32>
      %div3A_369 = arith.constant 1.000000e+00 : f32
      %div3A_370 = vector.broadcast %div3A_369 : f32 to vector<16xf32>
      %div3A_371 = arith.divf %div3A_370, %add3A_368 : vector<16xf32>
      %ge3A_372 = arith.constant 5.000000e-01 : f32
      %ge3A_373 = vector.broadcast %ge3A_372 : f32 to vector<16xf32>
      %ge3A_374 = arith.cmpf oge, %div3A_371, %ge3A_373 : vector<16xf32>
      %jit3A_375 = arith.constant 1.000000e+00 : f32
      %jit3A_376 = arith.constant 0.000000e+00 : f32
      %broadcast_in_dim3A_377 = vector.broadcast %jit3A_375 : f32 to vector<16xf32>
      %broadcast_in_dim3A_378 = vector.broadcast %jit3A_376 : f32 to vector<16xf32>
      %select_n3A_379 = arith.select %ge3A_374, %broadcast_in_dim3A_377, %broadcast_in_dim3A_378 : vector<16xi1>, vector<16xf32>
      %swap3A_380 = arith.index_cast %multiple_of3A_359 : i32 to index
      %swap3A_381 = tpu.vector_load %arg9[%swap3A_380] {strides = array<i32>} : memref<512xf32, #tpu.memory_space<vmem>>, vector<16xf32>,
      tpu.vector_store %arg9[%swap3A_380], %select_n3A_379 {strides = array<i32>} : memref<512xf32, #tpu.memory_space<vmem>>, vector<16xf32>,
      %swap3A_382 = arith.index_cast %multiple_of3A_359 : i32 to index
      %swap3A_383 = tpu.vector_load %arg10[%swap3A_382] {strides = array<i32>} : memref<512xf32, #tpu.memory_space<vmem>>, vector<16xf32>,
      tpu.vector_store %arg10[%swap3A_382], %div3A_371 {strides = array<i32>} : memref<512xf32, #tpu.memory_space<vmem>>, vector<16xf32>,
      %jit3A_384 = arith.constant -16.1180954 : f32
      %jit3A_385 = arith.constant 15.9423847 : f32
      %max3A_386 = vector.broadcast %jit3A_384 : f32 to vector<16xf32>
      %max3A_387 = arith.maximumf %max3A_386, %get3A_361 : vector<16xf32>
      %min3A_388 = vector.broadcast %jit3A_385 : f32 to vector<16xf32>
      %min3A_389 = arith.minimumf %min3A_388, %max3A_387 : vector<16xf32>
      %mul3A_390 = arith.constant 5.000000e+00 : f32
      %mul3A_391 = vector.broadcast %mul3A_390 : f32 to vector<16xf32>
      %mul3A_392 = arith.mulf %mul3A_391, %min3A_389 : vector<16xf32>
      %swap3A_393 = arith.index_cast %multiple_of3A_359 : i32 to index
      %swap3A_394 = tpu.vector_load %arg11[%swap3A_393] {strides = array<i32>} : memref<512xf32, #tpu.memory_space<vmem>>, vector<16xf32>,
      tpu.vector_store %arg11[%swap3A_393], %mul3A_392 {strides = array<i32>} : memref<512xf32, #tpu.memory_space<vmem>>, vector<16xf32>,
    }
    %scan3A_142 = arith.constant 8 : i32
    %add3A_143 = arith.constant 256 : i32
    %add3A_144 = arith.addi %mul3A_2, %add3A_143 : i32
    %dma_start3A_145 = arith.constant 6 : i32
    %dma_start3A_146 = arith.constant 256 : i32
    %dma_start3A_147 = tpu.memref_slice %arg9[%dma_start3A_146] : memref<512xf32, #tpu.memory_space<vmem>> -> memref<128xf32, #tpu.memory_space<vmem>>
    %dma_start3A_148 = tpu.memref_slice %arg4[%add3A_144] : memref<16384xf32, #tpu.memory_space<hbm>> -> memref<128xf32, #tpu.memory_space<hbm>>
    %dma_start3A_149 = tpu.memref_slice %arg14[%dma_start3A_145] : memref<12x!tpu.dma_semaphore, #tpu.memory_space<semaphore_mem>> -> memref<1x!tpu.dma_semaphore, #tpu.memory_space<semaphore_mem>>
    %dma_start3A_150 = tpu.memref_squeeze %dma_start3A_149 : memref<1x!tpu.dma_semaphore, #tpu.memory_space<semaphore_mem>> -> memref<!tpu.dma_semaphore, #tpu.memory_space<semaphore_mem>>
    %dma_start3A_151 = tpu.memref_slice %arg4[%add3A_144] : memref<16384xf32, #tpu.memory_space<hbm>> -> memref<128xf32, #tpu.memory_space<hbm>>
    %dma_start3A_152 = arith.constant 256 : i32
    %dma_start3A_153 = tpu.memref_slice %arg9[%dma_start3A_152] : memref<512xf32, #tpu.memory_space<vmem>> -> memref<128xf32, #tpu.memory_space<vmem>>
    tpu.enqueue_dma source(%dma_start3A_153 : memref<128xf32, #tpu.memory_space<vmem>>) target(%dma_start3A_151 : memref<128xf32, #tpu.memory_space<hbm>>) target_semaphore(%dma_start3A_150 : memref<!tpu.dma_semaphore, #tpu.memory_space<semaphore_mem>>)
    %dma_start3A_154 = arith.constant 7 : i32
    %dma_start3A_155 = arith.constant 256 : i32
    %dma_start3A_156 = tpu.memref_slice %arg10[%dma_start3A_155] : memref<512xf32, #tpu.memory_space<vmem>> -> memref<128xf32, #tpu.memory_space<vmem>>
    %dma_start3A_157 = tpu.memref_slice %arg5[%add3A_144] : memref<16384xf32, #tpu.memory_space<hbm>> -> memref<128xf32, #tpu.memory_space<hbm>>
    %dma_start3A_158 = tpu.memref_slice %arg14[%dma_start3A_154] : memref<12x!tpu.dma_semaphore, #tpu.memory_space<semaphore_mem>> -> memref<1x!tpu.dma_semaphore, #tpu.memory_space<semaphore_mem>>
    %dma_start3A_159 = tpu.memref_squeeze %dma_start3A_158 : memref<1x!tpu.dma_semaphore, #tpu.memory_space<semaphore_mem>> -> memref<!tpu.dma_semaphore, #tpu.memory_space<semaphore_mem>>
    %dma_start3A_160 = tpu.memref_slice %arg5[%add3A_144] : memref<16384xf32, #tpu.memory_space<hbm>> -> memref<128xf32, #tpu.memory_space<hbm>>
    %dma_start3A_161 = arith.constant 256 : i32
    %dma_start3A_162 = tpu.memref_slice %arg10[%dma_start3A_161] : memref<512xf32, #tpu.memory_space<vmem>> -> memref<128xf32, #tpu.memory_space<vmem>>
    tpu.enqueue_dma source(%dma_start3A_162 : memref<128xf32, #tpu.memory_space<vmem>>) target(%dma_start3A_160 : memref<128xf32, #tpu.memory_space<hbm>>) target_semaphore(%dma_start3A_159 : memref<!tpu.dma_semaphore, #tpu.memory_space<semaphore_mem>>)
    %dma_start3A_163 = arith.constant 8 : i32
    %dma_start3A_164 = arith.constant 256 : i32
    %dma_start3A_165 = tpu.memref_slice %arg11[%dma_start3A_164] : memref<512xf32, #tpu.memory_space<vmem>> -> memref<128xf32, #tpu.memory_space<vmem>>
    %dma_start3A_166 = tpu.memref_slice %arg6[%add3A_144] : memref<16384xf32, #tpu.memory_space<hbm>> -> memref<128xf32, #tpu.memory_space<hbm>>
    %dma_start3A_167 = tpu.memref_slice %arg14[%dma_start3A_163] : memref<12x!tpu.dma_semaphore, #tpu.memory_space<semaphore_mem>> -> memref<1x!tpu.dma_semaphore, #tpu.memory_space<semaphore_mem>>
    %dma_start3A_168 = tpu.memref_squeeze %dma_start3A_167 : memref<1x!tpu.dma_semaphore, #tpu.memory_space<semaphore_mem>> -> memref<!tpu.dma_semaphore, #tpu.memory_space<semaphore_mem>>
    %dma_start3A_169 = tpu.memref_slice %arg6[%add3A_144] : memref<16384xf32, #tpu.memory_space<hbm>> -> memref<128xf32, #tpu.memory_space<hbm>>
    %dma_start3A_170 = arith.constant 256 : i32
    %dma_start3A_171 = tpu.memref_slice %arg11[%dma_start3A_170] : memref<512xf32, #tpu.memory_space<vmem>> -> memref<128xf32, #tpu.memory_space<vmem>>
    tpu.enqueue_dma source(%dma_start3A_171 : memref<128xf32, #tpu.memory_space<vmem>>) target(%dma_start3A_169 : memref<128xf32, #tpu.memory_space<hbm>>) target_semaphore(%dma_start3A_168 : memref<!tpu.dma_semaphore, #tpu.memory_space<semaphore_mem>>)
    %dma_wait3A_172 = arith.constant 3 : i32
    %dma_wait3A_173 = arith.constant 384 : i32
    %dma_wait3A_174 = tpu.memref_slice %arg8[%dma_wait3A_173] : memref<512xf32, #tpu.memory_space<vmem>> -> memref<128xf32, #tpu.memory_space<vmem>>
    %dma_wait3A_175 = arith.constant 384 : i32
    %dma_wait3A_176 = tpu.memref_slice %arg7[%dma_wait3A_175] : memref<512xi32, #tpu.memory_space<vmem>> -> memref<128xi32, #tpu.memory_space<vmem>>
    %dma_wait3A_177 = arith.constant 0 : i32
    %dma_wait3A_178 = tpu.memref_slice %arg3[%dma_wait3A_177] : memref<1048576xf32, #tpu.memory_space<hbm>> -> memref<1048576xf32, #tpu.memory_space<hbm>>
    %dma_wait3A_179 = tpu.memref_slice %arg13[%dma_wait3A_172] : memref<4x!tpu.dma_semaphore, #tpu.memory_space<semaphore_mem>> -> memref<1x!tpu.dma_semaphore, #tpu.memory_space<semaphore_mem>>
    %dma_wait3A_180 = tpu.memref_squeeze %dma_wait3A_179 : memref<1x!tpu.dma_semaphore, #tpu.memory_space<semaphore_mem>> -> memref<!tpu.dma_semaphore, #tpu.memory_space<semaphore_mem>>
    tpu.wait_indirect_dma semaphore(%dma_wait3A_180 : memref<!tpu.dma_semaphore, #tpu.memory_space<semaphore_mem>>) src(%dma_wait3A_178 : memref<1048576xf32, #tpu.memory_space<hbm>>) dst(%dma_wait3A_174 : memref<128xf32, #tpu.memory_space<vmem>>)
    %scan3A_181 = arith.constant 0 : i32
    %scan3A_182 = arith.constant 0 : i32
    %scan3A_183 = arith.constant 8 : i32
    %scan3A_184 = arith.addi %scan3A_182, %scan3A_183 : i32
    %scan3A_185 = arith.constant 2 : i32
    scf.for %scan3A_324 = %scan3A_182 to %scan3A_184 step %scan3A_185  : i32 {
      %mul3A_325 = arith.constant 16 : i32
      %mul3A_326 = arith.muli %scan3A_324, %mul3A_325 : i32
      %add3A_327 = arith.constant 384 : i32
      %add3A_328 = arith.addi %add3A_327, %mul3A_326 : i32
      %multiple_of3A = tpu.assume_multiple %add3A_328, 16 : i32
      %get3A = arith.index_cast %multiple_of3A : i32 to index
      %get3A_329 = tpu.vector_load %arg8[%get3A] {strides = array<i32>} : memref<512xf32, #tpu.memory_space<vmem>>, vector<16xf32>,
      %neg3A = arith.constant 0.000000e+00 : f32
      %neg3A_330 = vector.broadcast %neg3A : f32 to vector<16xf32>
      %neg3A_331 = arith.subf %neg3A_330, %get3A_329 : vector<16xf32>
      %exp3A = math.exp %neg3A_331 : vector<16xf32>
      %add3A_332 = arith.constant 1.000000e+00 : f32
      %add3A_333 = vector.broadcast %add3A_332 : f32 to vector<16xf32>
      %add3A_334 = arith.addf %add3A_333, %exp3A : vector<16xf32>
      %div3A = arith.constant 1.000000e+00 : f32
      %div3A_335 = vector.broadcast %div3A : f32 to vector<16xf32>
      %div3A_336 = arith.divf %div3A_335, %add3A_334 : vector<16xf32>
      %ge3A = arith.constant 5.000000e-01 : f32
      %ge3A_337 = vector.broadcast %ge3A : f32 to vector<16xf32>
      %ge3A_338 = arith.cmpf oge, %div3A_336, %ge3A_337 : vector<16xf32>
      %jit3A = arith.constant 1.000000e+00 : f32
      %jit3A_339 = arith.constant 0.000000e+00 : f32
      %broadcast_in_dim3A = vector.broadcast %jit3A : f32 to vector<16xf32>
      %broadcast_in_dim3A_340 = vector.broadcast %jit3A_339 : f32 to vector<16xf32>
      %select_n3A = arith.select %ge3A_338, %broadcast_in_dim3A, %broadcast_in_dim3A_340 : vector<16xi1>, vector<16xf32>
      %swap3A = arith.index_cast %multiple_of3A : i32 to index
      %swap3A_341 = tpu.vector_load %arg9[%swap3A] {strides = array<i32>} : memref<512xf32, #tpu.memory_space<vmem>>, vector<16xf32>,
      tpu.vector_store %arg9[%swap3A], %select_n3A {strides = array<i32>} : memref<512xf32, #tpu.memory_space<vmem>>, vector<16xf32>,
      %swap3A_342 = arith.index_cast %multiple_of3A : i32 to index
      %swap3A_343 = tpu.vector_load %arg10[%swap3A_342] {strides = array<i32>} : memref<512xf32, #tpu.memory_space<vmem>>, vector<16xf32>,
      tpu.vector_store %arg10[%swap3A_342], %div3A_336 {strides = array<i32>} : memref<512xf32, #tpu.memory_space<vmem>>, vector<16xf32>,
      %jit3A_344 = arith.constant -16.1180954 : f32
      %jit3A_345 = arith.constant 15.9423847 : f32
      %max3A = vector.broadcast %jit3A_344 : f32 to vector<16xf32>
      %max3A_346 = arith.maximumf %max3A, %get3A_329 : vector<16xf32>
      %min3A = vector.broadcast %jit3A_345 : f32 to vector<16xf32>
      %min3A_347 = arith.minimumf %min3A, %max3A_346 : vector<16xf32>
      %mul3A_348 = arith.constant 5.000000e+00 : f32
      %mul3A_349 = vector.broadcast %mul3A_348 : f32 to vector<16xf32>
      %mul3A_350 = arith.mulf %mul3A_349, %min3A_347 : vector<16xf32>
      %swap3A_351 = arith.index_cast %multiple_of3A : i32 to index
      %swap3A_352 = tpu.vector_load %arg11[%swap3A_351] {strides = array<i32>} : memref<512xf32, #tpu.memory_space<vmem>>, vector<16xf32>,
      tpu.vector_store %arg11[%swap3A_351], %mul3A_350 {strides = array<i32>} : memref<512xf32, #tpu.memory_space<vmem>>, vector<16xf32>,
      %scan3A_353 = arith.constant 1 : i32
      %scan3A_354 = arith.addi %scan3A_324, %scan3A_353 : i32
      %mul3A_355 = arith.constant 16 : i32
      %mul3A_356 = arith.muli %scan3A_354, %mul3A_355 : i32
      %add3A_357 = arith.constant 384 : i32
      %add3A_358 = arith.addi %add3A_357, %mul3A_356 : i32
      %multiple_of3A_359 = tpu.assume_multiple %add3A_358, 16 : i32
      %get3A_360 = arith.index_cast %multiple_of3A_359 : i32 to index
      %get3A_361 = tpu.vector_load %arg8[%get3A_360] {strides = array<i32>} : memref<512xf32, #tpu.memory_space<vmem>>, vector<16xf32>,
      %neg3A_362 = arith.constant 0.000000e+00 : f32
      %neg3A_363 = vector.broadcast %neg3A_362 : f32 to vector<16xf32>
      %neg3A_364 = arith.subf %neg3A_363, %get3A_361 : vector<16xf32>
      %exp3A_365 = math.exp %neg3A_364 : vector<16xf32>
      %add3A_366 = arith.constant 1.000000e+00 : f32
      %add3A_367 = vector.broadcast %add3A_366 : f32 to vector<16xf32>
      %add3A_368 = arith.addf %add3A_367, %exp3A_365 : vector<16xf32>
      %div3A_369 = arith.constant 1.000000e+00 : f32
      %div3A_370 = vector.broadcast %div3A_369 : f32 to vector<16xf32>
      %div3A_371 = arith.divf %div3A_370, %add3A_368 : vector<16xf32>
      %ge3A_372 = arith.constant 5.000000e-01 : f32
      %ge3A_373 = vector.broadcast %ge3A_372 : f32 to vector<16xf32>
      %ge3A_374 = arith.cmpf oge, %div3A_371, %ge3A_373 : vector<16xf32>
      %jit3A_375 = arith.constant 1.000000e+00 : f32
      %jit3A_376 = arith.constant 0.000000e+00 : f32
      %broadcast_in_dim3A_377 = vector.broadcast %jit3A_375 : f32 to vector<16xf32>
      %broadcast_in_dim3A_378 = vector.broadcast %jit3A_376 : f32 to vector<16xf32>
      %select_n3A_379 = arith.select %ge3A_374, %broadcast_in_dim3A_377, %broadcast_in_dim3A_378 : vector<16xi1>, vector<16xf32>
      %swap3A_380 = arith.index_cast %multiple_of3A_359 : i32 to index
      %swap3A_381 = tpu.vector_load %arg9[%swap3A_380] {strides = array<i32>} : memref<512xf32, #tpu.memory_space<vmem>>, vector<16xf32>,
      tpu.vector_store %arg9[%swap3A_380], %select_n3A_379 {strides = array<i32>} : memref<512xf32, #tpu.memory_space<vmem>>, vector<16xf32>,
      %swap3A_382 = arith.index_cast %multiple_of3A_359 : i32 to index
      %swap3A_383 = tpu.vector_load %arg10[%swap3A_382] {strides = array<i32>} : memref<512xf32, #tpu.memory_space<vmem>>, vector<16xf32>,
      tpu.vector_store %arg10[%swap3A_382], %div3A_371 {strides = array<i32>} : memref<512xf32, #tpu.memory_space<vmem>>, vector<16xf32>,
      %jit3A_384 = arith.constant -16.1180954 : f32
      %jit3A_385 = arith.constant 15.9423847 : f32
      %max3A_386 = vector.broadcast %jit3A_384 : f32 to vector<16xf32>
      %max3A_387 = arith.maximumf %max3A_386, %get3A_361 : vector<16xf32>
      %min3A_388 = vector.broadcast %jit3A_385 : f32 to vector<16xf32>
      %min3A_389 = arith.minimumf %min3A_388, %max3A_387 : vector<16xf32>
      %mul3A_390 = arith.constant 5.000000e+00 : f32
      %mul3A_391 = vector.broadcast %mul3A_390 : f32 to vector<16xf32>
      %mul3A_392 = arith.mulf %mul3A_391, %min3A_389 : vector<16xf32>
      %swap3A_393 = arith.index_cast %multiple_of3A_359 : i32 to index
      %swap3A_394 = tpu.vector_load %arg11[%swap3A_393] {strides = array<i32>} : memref<512xf32, #tpu.memory_space<vmem>>, vector<16xf32>,
      tpu.vector_store %arg11[%swap3A_393], %mul3A_392 {strides = array<i32>} : memref<512xf32, #tpu.memory_space<vmem>>, vector<16xf32>,
    }
    %scan3A_186 = arith.constant 8 : i32
    %add3A_187 = arith.constant 384 : i32
    %add3A_188 = arith.addi %mul3A_2, %add3A_187 : i32
    %dma_start3A_189 = arith.constant 9 : i32
    %dma_start3A_190 = arith.constant 384 : i32
    %dma_start3A_191 = tpu.memref_slice %arg9[%dma_start3A_190] : memref<512xf32, #tpu.memory_space<vmem>> -> memref<128xf32, #tpu.memory_space<vmem>>
    %dma_start3A_192 = tpu.memref_slice %arg4[%add3A_188] : memref<16384xf32, #tpu.memory_space<hbm>> -> memref<128xf32, #tpu.memory_space<hbm>>
    %dma_start3A_193 = tpu.memref_slice %arg14[%dma_start3A_189] : memref<12x!tpu.dma_semaphore, #tpu.memory_space<semaphore_mem>> -> memref<1x!tpu.dma_semaphore, #tpu.memory_space<semaphore_mem>>
    %dma_start3A_194 = tpu.memref_squeeze %dma_start3A_193 : memref<1x!tpu.dma_semaphore, #tpu.memory_space<semaphore_mem>> -> memref<!tpu.dma_semaphore, #tpu.memory_space<semaphore_mem>>
    %dma_start3A_195 = tpu.memref_slice %arg4[%add3A_188] : memref<16384xf32, #tpu.memory_space<hbm>> -> memref<128xf32, #tpu.memory_space<hbm>>
    %dma_start3A_196 = arith.constant 384 : i32
    %dma_start3A_197 = tpu.memref_slice %arg9[%dma_start3A_196] : memref<512xf32, #tpu.memory_space<vmem>> -> memref<128xf32, #tpu.memory_space<vmem>>
    tpu.enqueue_dma source(%dma_start3A_197 : memref<128xf32, #tpu.memory_space<vmem>>) target(%dma_start3A_195 : memref<128xf32, #tpu.memory_space<hbm>>) target_semaphore(%dma_start3A_194 : memref<!tpu.dma_semaphore, #tpu.memory_space<semaphore_mem>>)
    %dma_start3A_198 = arith.constant 10 : i32
    %dma_start3A_199 = arith.constant 384 : i32
    %dma_start3A_200 = tpu.memref_slice %arg10[%dma_start3A_199] : memref<512xf32, #tpu.memory_space<vmem>> -> memref<128xf32, #tpu.memory_space<vmem>>
    %dma_start3A_201 = tpu.memref_slice %arg5[%add3A_188] : memref<16384xf32, #tpu.memory_space<hbm>> -> memref<128xf32, #tpu.memory_space<hbm>>
    %dma_start3A_202 = tpu.memref_slice %arg14[%dma_start3A_198] : memref<12x!tpu.dma_semaphore, #tpu.memory_space<semaphore_mem>> -> memref<1x!tpu.dma_semaphore, #tpu.memory_space<semaphore_mem>>
    %dma_start3A_203 = tpu.memref_squeeze %dma_start3A_202 : memref<1x!tpu.dma_semaphore, #tpu.memory_space<semaphore_mem>> -> memref<!tpu.dma_semaphore, #tpu.memory_space<semaphore_mem>>
    %dma_start3A_204 = tpu.memref_slice %arg5[%add3A_188] : memref<16384xf32, #tpu.memory_space<hbm>> -> memref<128xf32, #tpu.memory_space<hbm>>
    %dma_start3A_205 = arith.constant 384 : i32
    %dma_start3A_206 = tpu.memref_slice %arg10[%dma_start3A_205] : memref<512xf32, #tpu.memory_space<vmem>> -> memref<128xf32, #tpu.memory_space<vmem>>
    tpu.enqueue_dma source(%dma_start3A_206 : memref<128xf32, #tpu.memory_space<vmem>>) target(%dma_start3A_204 : memref<128xf32, #tpu.memory_space<hbm>>) target_semaphore(%dma_start3A_203 : memref<!tpu.dma_semaphore, #tpu.memory_space<semaphore_mem>>)
    %dma_start3A_207 = arith.constant 11 : i32
    %dma_start3A_208 = arith.constant 384 : i32
    %dma_start3A_209 = tpu.memref_slice %arg11[%dma_start3A_208] : memref<512xf32, #tpu.memory_space<vmem>> -> memref<128xf32, #tpu.memory_space<vmem>>
    %dma_start3A_210 = tpu.memref_slice %arg6[%add3A_188] : memref<16384xf32, #tpu.memory_space<hbm>> -> memref<128xf32, #tpu.memory_space<hbm>>
    %dma_start3A_211 = tpu.memref_slice %arg14[%dma_start3A_207] : memref<12x!tpu.dma_semaphore, #tpu.memory_space<semaphore_mem>> -> memref<1x!tpu.dma_semaphore, #tpu.memory_space<semaphore_mem>>
    %dma_start3A_212 = tpu.memref_squeeze %dma_start3A_211 : memref<1x!tpu.dma_semaphore, #tpu.memory_space<semaphore_mem>> -> memref<!tpu.dma_semaphore, #tpu.memory_space<semaphore_mem>>
    %dma_start3A_213 = tpu.memref_slice %arg6[%add3A_188] : memref<16384xf32, #tpu.memory_space<hbm>> -> memref<128xf32, #tpu.memory_space<hbm>>
    %dma_start3A_214 = arith.constant 384 : i32
    %dma_start3A_215 = tpu.memref_slice %arg11[%dma_start3A_214] : memref<512xf32, #tpu.memory_space<vmem>> -> memref<128xf32, #tpu.memory_space<vmem>>
    tpu.enqueue_dma source(%dma_start3A_215 : memref<128xf32, #tpu.memory_space<vmem>>) target(%dma_start3A_213 : memref<128xf32, #tpu.memory_space<hbm>>) target_semaphore(%dma_start3A_212 : memref<!tpu.dma_semaphore, #tpu.memory_space<semaphore_mem>>)
    %dma_wait3A_216 = arith.constant 0 : i32
    %dma_wait3A_217 = arith.constant 0 : i32
    %dma_wait3A_218 = tpu.memref_slice %arg9[%dma_wait3A_217] : memref<512xf32, #tpu.memory_space<vmem>> -> memref<128xf32, #tpu.memory_space<vmem>>
    %dma_wait3A_219 = tpu.memref_slice %arg4[%add3A_56] : memref<16384xf32, #tpu.memory_space<hbm>> -> memref<128xf32, #tpu.memory_space<hbm>>
    %dma_wait3A_220 = tpu.memref_slice %arg14[%dma_wait3A_216] : memref<12x!tpu.dma_semaphore, #tpu.memory_space<semaphore_mem>> -> memref<1x!tpu.dma_semaphore, #tpu.memory_space<semaphore_mem>>
    %dma_wait3A_221 = tpu.memref_squeeze %dma_wait3A_220 : memref<1x!tpu.dma_semaphore, #tpu.memory_space<semaphore_mem>> -> memref<!tpu.dma_semaphore, #tpu.memory_space<semaphore_mem>>
    %dma_wait3A_222 = tpu.memref_slice %arg4[%add3A_56] : memref<16384xf32, #tpu.memory_space<hbm>> -> memref<128xf32, #tpu.memory_space<hbm>>
    %dma_wait3A_223 = arith.constant 0 : i32
    %dma_wait3A_224 = tpu.memref_slice %arg9[%dma_wait3A_223] : memref<512xf32, #tpu.memory_space<vmem>> -> memref<128xf32, #tpu.memory_space<vmem>>
    tpu.wait_dma2 semaphore(%dma_wait3A_221 : memref<!tpu.dma_semaphore, #tpu.memory_space<semaphore_mem>>) src(%dma_wait3A_224 : memref<128xf32, #tpu.memory_space<vmem>>) dst(%dma_wait3A_222 : memref<128xf32, #tpu.memory_space<hbm>>)
    %dma_wait3A_225 = arith.constant 1 : i32
    %dma_wait3A_226 = arith.constant 0 : i32
    %dma_wait3A_227 = tpu.memref_slice %arg10[%dma_wait3A_226] : memref<512xf32, #tpu.memory_space<vmem>> -> memref<128xf32, #tpu.memory_space<vmem>>
    %dma_wait3A_228 = tpu.memref_slice %arg5[%add3A_56] : memref<16384xf32, #tpu.memory_space<hbm>> -> memref<128xf32, #tpu.memory_space<hbm>>
    %dma_wait3A_229 = tpu.memref_slice %arg14[%dma_wait3A_225] : memref<12x!tpu.dma_semaphore, #tpu.memory_space<semaphore_mem>> -> memref<1x!tpu.dma_semaphore, #tpu.memory_space<semaphore_mem>>
    %dma_wait3A_230 = tpu.memref_squeeze %dma_wait3A_229 : memref<1x!tpu.dma_semaphore, #tpu.memory_space<semaphore_mem>> -> memref<!tpu.dma_semaphore, #tpu.memory_space<semaphore_mem>>
    %dma_wait3A_231 = tpu.memref_slice %arg5[%add3A_56] : memref<16384xf32, #tpu.memory_space<hbm>> -> memref<128xf32, #tpu.memory_space<hbm>>
    %dma_wait3A_232 = arith.constant 0 : i32
    %dma_wait3A_233 = tpu.memref_slice %arg10[%dma_wait3A_232] : memref<512xf32, #tpu.memory_space<vmem>> -> memref<128xf32, #tpu.memory_space<vmem>>
    tpu.wait_dma2 semaphore(%dma_wait3A_230 : memref<!tpu.dma_semaphore, #tpu.memory_space<semaphore_mem>>) src(%dma_wait3A_233 : memref<128xf32, #tpu.memory_space<vmem>>) dst(%dma_wait3A_231 : memref<128xf32, #tpu.memory_space<hbm>>)
    %dma_wait3A_234 = arith.constant 2 : i32
    %dma_wait3A_235 = arith.constant 0 : i32
    %dma_wait3A_236 = tpu.memref_slice %arg11[%dma_wait3A_235] : memref<512xf32, #tpu.memory_space<vmem>> -> memref<128xf32, #tpu.memory_space<vmem>>
    %dma_wait3A_237 = tpu.memref_slice %arg6[%add3A_56] : memref<16384xf32, #tpu.memory_space<hbm>> -> memref<128xf32, #tpu.memory_space<hbm>>
    %dma_wait3A_238 = tpu.memref_slice %arg14[%dma_wait3A_234] : memref<12x!tpu.dma_semaphore, #tpu.memory_space<semaphore_mem>> -> memref<1x!tpu.dma_semaphore, #tpu.memory_space<semaphore_mem>>
    %dma_wait3A_239 = tpu.memref_squeeze %dma_wait3A_238 : memref<1x!tpu.dma_semaphore, #tpu.memory_space<semaphore_mem>> -> memref<!tpu.dma_semaphore, #tpu.memory_space<semaphore_mem>>
    %dma_wait3A_240 = tpu.memref_slice %arg6[%add3A_56] : memref<16384xf32, #tpu.memory_space<hbm>> -> memref<128xf32, #tpu.memory_space<hbm>>
    %dma_wait3A_241 = arith.constant 0 : i32
    %dma_wait3A_242 = tpu.memref_slice %arg11[%dma_wait3A_241] : memref<512xf32, #tpu.memory_space<vmem>> -> memref<128xf32, #tpu.memory_space<vmem>>
    tpu.wait_dma2 semaphore(%dma_wait3A_239 : memref<!tpu.dma_semaphore, #tpu.memory_space<semaphore_mem>>) src(%dma_wait3A_242 : memref<128xf32, #tpu.memory_space<vmem>>) dst(%dma_wait3A_240 : memref<128xf32, #tpu.memory_space<hbm>>)
    %dma_wait3A_243 = arith.constant 3 : i32
    %dma_wait3A_244 = arith.constant 128 : i32
    %dma_wait3A_245 = tpu.memref_slice %arg9[%dma_wait3A_244] : memref<512xf32, #tpu.memory_space<vmem>> -> memref<128xf32, #tpu.memory_space<vmem>>
    %dma_wait3A_246 = tpu.memref_slice %arg4[%add3A_100] : memref<16384xf32, #tpu.memory_space<hbm>> -> memref<128xf32, #tpu.memory_space<hbm>>
    %dma_wait3A_247 = tpu.memref_slice %arg14[%dma_wait3A_243] : memref<12x!tpu.dma_semaphore, #tpu.memory_space<semaphore_mem>> -> memref<1x!tpu.dma_semaphore, #tpu.memory_space<semaphore_mem>>
    %dma_wait3A_248 = tpu.memref_squeeze %dma_wait3A_247 : memref<1x!tpu.dma_semaphore, #tpu.memory_space<semaphore_mem>> -> memref<!tpu.dma_semaphore, #tpu.memory_space<semaphore_mem>>
    %dma_wait3A_249 = tpu.memref_slice %arg4[%add3A_100] : memref<16384xf32, #tpu.memory_space<hbm>> -> memref<128xf32, #tpu.memory_space<hbm>>
    %dma_wait3A_250 = arith.constant 128 : i32
    %dma_wait3A_251 = tpu.memref_slice %arg9[%dma_wait3A_250] : memref<512xf32, #tpu.memory_space<vmem>> -> memref<128xf32, #tpu.memory_space<vmem>>
    tpu.wait_dma2 semaphore(%dma_wait3A_248 : memref<!tpu.dma_semaphore, #tpu.memory_space<semaphore_mem>>) src(%dma_wait3A_251 : memref<128xf32, #tpu.memory_space<vmem>>) dst(%dma_wait3A_249 : memref<128xf32, #tpu.memory_space<hbm>>)
    %dma_wait3A_252 = arith.constant 4 : i32
    %dma_wait3A_253 = arith.constant 128 : i32
    %dma_wait3A_254 = tpu.memref_slice %arg10[%dma_wait3A_253] : memref<512xf32, #tpu.memory_space<vmem>> -> memref<128xf32, #tpu.memory_space<vmem>>
    %dma_wait3A_255 = tpu.memref_slice %arg5[%add3A_100] : memref<16384xf32, #tpu.memory_space<hbm>> -> memref<128xf32, #tpu.memory_space<hbm>>
    %dma_wait3A_256 = tpu.memref_slice %arg14[%dma_wait3A_252] : memref<12x!tpu.dma_semaphore, #tpu.memory_space<semaphore_mem>> -> memref<1x!tpu.dma_semaphore, #tpu.memory_space<semaphore_mem>>
    %dma_wait3A_257 = tpu.memref_squeeze %dma_wait3A_256 : memref<1x!tpu.dma_semaphore, #tpu.memory_space<semaphore_mem>> -> memref<!tpu.dma_semaphore, #tpu.memory_space<semaphore_mem>>
    %dma_wait3A_258 = tpu.memref_slice %arg5[%add3A_100] : memref<16384xf32, #tpu.memory_space<hbm>> -> memref<128xf32, #tpu.memory_space<hbm>>
    %dma_wait3A_259 = arith.constant 128 : i32
    %dma_wait3A_260 = tpu.memref_slice %arg10[%dma_wait3A_259] : memref<512xf32, #tpu.memory_space<vmem>> -> memref<128xf32, #tpu.memory_space<vmem>>
    tpu.wait_dma2 semaphore(%dma_wait3A_257 : memref<!tpu.dma_semaphore, #tpu.memory_space<semaphore_mem>>) src(%dma_wait3A_260 : memref<128xf32, #tpu.memory_space<vmem>>) dst(%dma_wait3A_258 : memref<128xf32, #tpu.memory_space<hbm>>)
    %dma_wait3A_261 = arith.constant 5 : i32
    %dma_wait3A_262 = arith.constant 128 : i32
    %dma_wait3A_263 = tpu.memref_slice %arg11[%dma_wait3A_262] : memref<512xf32, #tpu.memory_space<vmem>> -> memref<128xf32, #tpu.memory_space<vmem>>
    %dma_wait3A_264 = tpu.memref_slice %arg6[%add3A_100] : memref<16384xf32, #tpu.memory_space<hbm>> -> memref<128xf32, #tpu.memory_space<hbm>>
    %dma_wait3A_265 = tpu.memref_slice %arg14[%dma_wait3A_261] : memref<12x!tpu.dma_semaphore, #tpu.memory_space<semaphore_mem>> -> memref<1x!tpu.dma_semaphore, #tpu.memory_space<semaphore_mem>>
    %dma_wait3A_266 = tpu.memref_squeeze %dma_wait3A_265 : memref<1x!tpu.dma_semaphore, #tpu.memory_space<semaphore_mem>> -> memref<!tpu.dma_semaphore, #tpu.memory_space<semaphore_mem>>
    %dma_wait3A_267 = tpu.memref_slice %arg6[%add3A_100] : memref<16384xf32, #tpu.memory_space<hbm>> -> memref<128xf32, #tpu.memory_space<hbm>>
    %dma_wait3A_268 = arith.constant 128 : i32
    %dma_wait3A_269 = tpu.memref_slice %arg11[%dma_wait3A_268] : memref<512xf32, #tpu.memory_space<vmem>> -> memref<128xf32, #tpu.memory_space<vmem>>
    tpu.wait_dma2 semaphore(%dma_wait3A_266 : memref<!tpu.dma_semaphore, #tpu.memory_space<semaphore_mem>>) src(%dma_wait3A_269 : memref<128xf32, #tpu.memory_space<vmem>>) dst(%dma_wait3A_267 : memref<128xf32, #tpu.memory_space<hbm>>)
    %dma_wait3A_270 = arith.constant 6 : i32
    %dma_wait3A_271 = arith.constant 256 : i32
    %dma_wait3A_272 = tpu.memref_slice %arg9[%dma_wait3A_271] : memref<512xf32, #tpu.memory_space<vmem>> -> memref<128xf32, #tpu.memory_space<vmem>>
    %dma_wait3A_273 = tpu.memref_slice %arg4[%add3A_144] : memref<16384xf32, #tpu.memory_space<hbm>> -> memref<128xf32, #tpu.memory_space<hbm>>
    %dma_wait3A_274 = tpu.memref_slice %arg14[%dma_wait3A_270] : memref<12x!tpu.dma_semaphore, #tpu.memory_space<semaphore_mem>> -> memref<1x!tpu.dma_semaphore, #tpu.memory_space<semaphore_mem>>
    %dma_wait3A_275 = tpu.memref_squeeze %dma_wait3A_274 : memref<1x!tpu.dma_semaphore, #tpu.memory_space<semaphore_mem>> -> memref<!tpu.dma_semaphore, #tpu.memory_space<semaphore_mem>>
    %dma_wait3A_276 = tpu.memref_slice %arg4[%add3A_144] : memref<16384xf32, #tpu.memory_space<hbm>> -> memref<128xf32, #tpu.memory_space<hbm>>
    %dma_wait3A_277 = arith.constant 256 : i32
    %dma_wait3A_278 = tpu.memref_slice %arg9[%dma_wait3A_277] : memref<512xf32, #tpu.memory_space<vmem>> -> memref<128xf32, #tpu.memory_space<vmem>>
    tpu.wait_dma2 semaphore(%dma_wait3A_275 : memref<!tpu.dma_semaphore, #tpu.memory_space<semaphore_mem>>) src(%dma_wait3A_278 : memref<128xf32, #tpu.memory_space<vmem>>) dst(%dma_wait3A_276 : memref<128xf32, #tpu.memory_space<hbm>>)
    %dma_wait3A_279 = arith.constant 7 : i32
    %dma_wait3A_280 = arith.constant 256 : i32
    %dma_wait3A_281 = tpu.memref_slice %arg10[%dma_wait3A_280] : memref<512xf32, #tpu.memory_space<vmem>> -> memref<128xf32, #tpu.memory_space<vmem>>
    %dma_wait3A_282 = tpu.memref_slice %arg5[%add3A_144] : memref<16384xf32, #tpu.memory_space<hbm>> -> memref<128xf32, #tpu.memory_space<hbm>>
    %dma_wait3A_283 = tpu.memref_slice %arg14[%dma_wait3A_279] : memref<12x!tpu.dma_semaphore, #tpu.memory_space<semaphore_mem>> -> memref<1x!tpu.dma_semaphore, #tpu.memory_space<semaphore_mem>>
    %dma_wait3A_284 = tpu.memref_squeeze %dma_wait3A_283 : memref<1x!tpu.dma_semaphore, #tpu.memory_space<semaphore_mem>> -> memref<!tpu.dma_semaphore, #tpu.memory_space<semaphore_mem>>
    %dma_wait3A_285 = tpu.memref_slice %arg5[%add3A_144] : memref<16384xf32, #tpu.memory_space<hbm>> -> memref<128xf32, #tpu.memory_space<hbm>>
    %dma_wait3A_286 = arith.constant 256 : i32
    %dma_wait3A_287 = tpu.memref_slice %arg10[%dma_wait3A_286] : memref<512xf32, #tpu.memory_space<vmem>> -> memref<128xf32, #tpu.memory_space<vmem>>
    tpu.wait_dma2 semaphore(%dma_wait3A_284 : memref<!tpu.dma_semaphore, #tpu.memory_space<semaphore_mem>>) src(%dma_wait3A_287 : memref<128xf32, #tpu.memory_space<vmem>>) dst(%dma_wait3A_285 : memref<128xf32, #tpu.memory_space<hbm>>)
    %dma_wait3A_288 = arith.constant 8 : i32
    %dma_wait3A_289 = arith.constant 256 : i32
    %dma_wait3A_290 = tpu.memref_slice %arg11[%dma_wait3A_289] : memref<512xf32, #tpu.memory_space<vmem>> -> memref<128xf32, #tpu.memory_space<vmem>>
    %dma_wait3A_291 = tpu.memref_slice %arg6[%add3A_144] : memref<16384xf32, #tpu.memory_space<hbm>> -> memref<128xf32, #tpu.memory_space<hbm>>
    %dma_wait3A_292 = tpu.memref_slice %arg14[%dma_wait3A_288] : memref<12x!tpu.dma_semaphore, #tpu.memory_space<semaphore_mem>> -> memref<1x!tpu.dma_semaphore, #tpu.memory_space<semaphore_mem>>
    %dma_wait3A_293 = tpu.memref_squeeze %dma_wait3A_292 : memref<1x!tpu.dma_semaphore, #tpu.memory_space<semaphore_mem>> -> memref<!tpu.dma_semaphore, #tpu.memory_space<semaphore_mem>>
    %dma_wait3A_294 = tpu.memref_slice %arg6[%add3A_144] : memref<16384xf32, #tpu.memory_space<hbm>> -> memref<128xf32, #tpu.memory_space<hbm>>
    %dma_wait3A_295 = arith.constant 256 : i32
    %dma_wait3A_296 = tpu.memref_slice %arg11[%dma_wait3A_295] : memref<512xf32, #tpu.memory_space<vmem>> -> memref<128xf32, #tpu.memory_space<vmem>>
    tpu.wait_dma2 semaphore(%dma_wait3A_293 : memref<!tpu.dma_semaphore, #tpu.memory_space<semaphore_mem>>) src(%dma_wait3A_296 : memref<128xf32, #tpu.memory_space<vmem>>) dst(%dma_wait3A_294 : memref<128xf32, #tpu.memory_space<hbm>>)
    %dma_wait3A_297 = arith.constant 9 : i32
    %dma_wait3A_298 = arith.constant 384 : i32
    %dma_wait3A_299 = tpu.memref_slice %arg9[%dma_wait3A_298] : memref<512xf32, #tpu.memory_space<vmem>> -> memref<128xf32, #tpu.memory_space<vmem>>
    %dma_wait3A_300 = tpu.memref_slice %arg4[%add3A_188] : memref<16384xf32, #tpu.memory_space<hbm>> -> memref<128xf32, #tpu.memory_space<hbm>>
    %dma_wait3A_301 = tpu.memref_slice %arg14[%dma_wait3A_297] : memref<12x!tpu.dma_semaphore, #tpu.memory_space<semaphore_mem>> -> memref<1x!tpu.dma_semaphore, #tpu.memory_space<semaphore_mem>>
    %dma_wait3A_302 = tpu.memref_squeeze %dma_wait3A_301 : memref<1x!tpu.dma_semaphore, #tpu.memory_space<semaphore_mem>> -> memref<!tpu.dma_semaphore, #tpu.memory_space<semaphore_mem>>
    %dma_wait3A_303 = tpu.memref_slice %arg4[%add3A_188] : memref<16384xf32, #tpu.memory_space<hbm>> -> memref<128xf32, #tpu.memory_space<hbm>>
    %dma_wait3A_304 = arith.constant 384 : i32
    %dma_wait3A_305 = tpu.memref_slice %arg9[%dma_wait3A_304] : memref<512xf32, #tpu.memory_space<vmem>> -> memref<128xf32, #tpu.memory_space<vmem>>
    tpu.wait_dma2 semaphore(%dma_wait3A_302 : memref<!tpu.dma_semaphore, #tpu.memory_space<semaphore_mem>>) src(%dma_wait3A_305 : memref<128xf32, #tpu.memory_space<vmem>>) dst(%dma_wait3A_303 : memref<128xf32, #tpu.memory_space<hbm>>)
    %dma_wait3A_306 = arith.constant 10 : i32
    %dma_wait3A_307 = arith.constant 384 : i32
    %dma_wait3A_308 = tpu.memref_slice %arg10[%dma_wait3A_307] : memref<512xf32, #tpu.memory_space<vmem>> -> memref<128xf32, #tpu.memory_space<vmem>>
    %dma_wait3A_309 = tpu.memref_slice %arg5[%add3A_188] : memref<16384xf32, #tpu.memory_space<hbm>> -> memref<128xf32, #tpu.memory_space<hbm>>
    %dma_wait3A_310 = tpu.memref_slice %arg14[%dma_wait3A_306] : memref<12x!tpu.dma_semaphore, #tpu.memory_space<semaphore_mem>> -> memref<1x!tpu.dma_semaphore, #tpu.memory_space<semaphore_mem>>
    %dma_wait3A_311 = tpu.memref_squeeze %dma_wait3A_310 : memref<1x!tpu.dma_semaphore, #tpu.memory_space<semaphore_mem>> -> memref<!tpu.dma_semaphore, #tpu.memory_space<semaphore_mem>>
    %dma_wait3A_312 = tpu.memref_slice %arg5[%add3A_188] : memref<16384xf32, #tpu.memory_space<hbm>> -> memref<128xf32, #tpu.memory_space<hbm>>
    %dma_wait3A_313 = arith.constant 384 : i32
    %dma_wait3A_314 = tpu.memref_slice %arg10[%dma_wait3A_313] : memref<512xf32, #tpu.memory_space<vmem>> -> memref<128xf32, #tpu.memory_space<vmem>>
    tpu.wait_dma2 semaphore(%dma_wait3A_311 : memref<!tpu.dma_semaphore, #tpu.memory_space<semaphore_mem>>) src(%dma_wait3A_314 : memref<128xf32, #tpu.memory_space<vmem>>) dst(%dma_wait3A_312 : memref<128xf32, #tpu.memory_space<hbm>>)
    %dma_wait3A_315 = arith.constant 11 : i32
    %dma_wait3A_316 = arith.constant 384 : i32
    %dma_wait3A_317 = tpu.memref_slice %arg11[%dma_wait3A_316] : memref<512xf32, #tpu.memory_space<vmem>> -> memref<128xf32, #tpu.memory_space<vmem>>
    %dma_wait3A_318 = tpu.memref_slice %arg6[%add3A_188] : memref<16384xf32, #tpu.memory_space<hbm>> -> memref<128xf32, #tpu.memory_space<hbm>>
    %dma_wait3A_319 = tpu.memref_slice %arg14[%dma_wait3A_315] : memref<12x!tpu.dma_semaphore, #tpu.memory_space<semaphore_mem>> -> memref<1x!tpu.dma_semaphore, #tpu.memory_space<semaphore_mem>>
    %dma_wait3A_320 = tpu.memref_squeeze %dma_wait3A_319 : memref<1x!tpu.dma_semaphore, #tpu.memory_space<semaphore_mem>> -> memref<!tpu.dma_semaphore, #tpu.memory_space<semaphore_mem>>
    %dma_wait3A_321 = tpu.memref_slice %arg6[%add3A_188] : memref<16384xf32, #tpu.memory_space<hbm>> -> memref<128xf32, #tpu.memory_space<hbm>>
    %dma_wait3A_322 = arith.constant 384 : i32
    %dma_wait3A_323 = tpu.memref_slice %arg11[%dma_wait3A_322] : memref<512xf32, #tpu.memory_space<vmem>> -> memref<128xf32, #tpu.memory_space<vmem>>
    tpu.wait_dma2 semaphore(%dma_wait3A_320 : memref<!tpu.dma_semaphore, #tpu.memory_space<semaphore_mem>>) src(%dma_wait3A_323 : memref<128xf32, #tpu.memory_space<vmem>>) dst(%dma_wait3A_321 : memref<128xf32, #tpu.memory_space<hbm>>)
    return
  }
}

module attributes {stable_mosaic.version = 14 : i64} {
  func.func @_pack_body(%arg0: i32, %arg1: memref<20x4096xf32, #tpu.memory_space<vmem>>, %arg2: memref<4096xi32, #tpu.memory_space<vmem>>) attributes {dimension_semantics = [#tpu.dimension_semantics<arbitrary>], iteration_bounds = array<i64: 4>, scalar_prefetch = 0 : i64, scratch_operands = 0 : i64, tpu.core_type = #tpu.core_type<tc>, window_params = [{transform_indices = @transform_0, window_bounds = array<i64: 20, 4096>}, {transform_indices = @transform_1, window_bounds = array<i64: 4096>}]} {
    %iota3A = tpu.iota {dimensions = array<i32: 0>} : vector<20x4096xi32>
    %get3A = arith.constant 0 : index
    %get3A_0 = arith.constant 0 : index
    %get3A_1 = vector.load %arg1[%get3A, %get3A_0] : memref<20x4096xf32, #tpu.memory_space<vmem>>, vector<20x4096xf32>
    %convert_element_type3A = arith.fptosi %get3A_1 : vector<20x4096xf32> to vector<20x4096xi32>
    %sub3A = arith.constant 19 : i32
    %sub3A_2 = vector.broadcast %sub3A : i32 to vector<20x4096xi32>
    %sub3A_3 = arith.subi %sub3A_2, %iota3A : vector<20x4096xi32>
    %shift_left3A = arith.shli %convert_element_type3A, %sub3A_3 : vector<20x4096xi32>
    %reduce_sum3A = arith.constant dense<0> : vector<4096xi32>
    %reduce_sum3A_4 = vector.multi_reduction <add>, %shift_left3A, %reduce_sum3A [0] : vector<20x4096xi32> to vector<4096xi32>
    %swap3A = arith.constant 0 : index
    %swap3A_5 = vector.load %arg2[%swap3A] : memref<4096xi32, #tpu.memory_space<vmem>>, vector<4096xi32>
    tpu.vector_store %arg2[%swap3A], %reduce_sum3A_4 {strides = array<i32>} : memref<4096xi32, #tpu.memory_space<vmem>>, vector<4096xi32>,
    return
  }
  func.func @transform_0(%arg0: i32) -> (i32, i32) {
    %c0_i32 = arith.constant 0 : i32
    %c0_i32_0 = arith.constant 0 : i32
    return %c0_i32, %arg0 : i32, i32
  }
  func.func @transform_1(%arg0: i32) -> i32 {
    %c0_i32 = arith.constant 0 : i32
    return %arg0 : i32
  }
}

</mosaic_0001>

<sc_bundles>
// kernel: kernel.4.cloned.1.call-start
scs
__scs_entry_jumppad:
0x0: {  	(pc) =	sbr.rel $0x88, $3  }
0x1: {  	(tag) =	ssettag $0x0;
	lr =	simm.s32 $0x1  }
0x2: {  	[smem:$0x3F9F] =	sst lr;
	_ =	strace $0xD0000000  }
0x3: {  	_ = 	snop  }
0x4: {  	_ = 	snop  }
0x5: {  	_ = 	snop  }
0x6: {  	_ = 	snop  }
0x7: {  	_ = 	snop  }
__scs_overlays_trampoline_lowered:
0x8: {  	[smem:$0x3FAE] =	sst s0  }
0x9: {  	[smem:$0x3FAF] =	sst s1  }
0xa: {  	[smem:$0x3FB0] =	sst s2  }
0xb: {  	[smem:$0x3FB1] =	sst s3  }
0xc: {  	[smem:$0x3FB2] =	sst s4  }
0xd: {  	[smem:$0x3FB3] =	sst s5  }
0xe: {  	[smem:$0x3FB4] =	sst s6  }
0xf: {  	[smem:$0x3FB5] =	sst s7  }
0x10: {  	[smem:$0x3FB6] =	sst s8  }
0x11: {  	[smem:$0x3FB7] =	sst s9;
	s0 =	simm.s32 @!p0 $0x0  }
0x12: {  	s1 =	sld [smem:$0x3F9D];
	s0 =	simm.s32 @p0 $0x1  }
0x13: {  	[smem:$0x3FB8] =	sst s0;
	s0 =	simm.s32 @!p1 $0x0  }
0x14: {  	s2 =	sld [smem:$0x3F9C];
	s0 =	simm.s32 @p1 $0x1  }
0x15: {  	[smem:$0x3FB9] =	sst s0;
	s0 =	simm.s32 @!p2 $0x0  }
0x16: {  	s3 =	sld [smem:$0x3FDB];
	s0 =	simm.s32 @p2 $0x1  }
0x17: {  	s4 =	simm.s32 $0x1BF5;
	[smem:$0x3FBB] =	sst s0  }
0x18: {  	s0 =	sld [smem:$0x3F9E];
	_ =	swait.ge [sflag:s4], $0x0  }
0x19: {  	s7 =	sld [smem:$0x3F9F]  }
0x1a: {  	s8 =	sadd.s32 $0xFFFFE003, lr  }
0x1b: {  	s9 =	sadd.s32 $0xFFFFFEF7, lr;
	s5 =	simm.s32 $0xFFFFFFFF;
	p2 =	slt.u32 s8, $0xFFFFF086  }
0x1c: {  	p1 =	slt.u32 s9, $0xF7A;
	s5 =	simm.s32 @!p2 $0x0  }
0x1d: {  	s5 =	simm.s32 @p1 $0x1;
	p0 =	seq.s32 s7, s2  }
0x1e: {  	s7 =	smul.u32 @!p0 $0xF7A, s2;
	p2 =	seq.s32 @!p0 s5, $0x0  }
0x1f: {  	s9 =	smul.u32 $0xF7A, s1;
	s8 =	simm.s32 @!p0 $0x1BF5;
	p2 =	por !p2, p0  }
0x20: {  	[sflag:s8] =	ssyncset.s32 @!p0 $0xFFFFF086;
	s6 =	sadd.s32 @!p0 s3, s7;
	s7 =	simm.s32 @!p0 $0x108  }
0x21: {  	s3 =	sadd.s32 s3, s9;
	s6 =	sadd.s32 @!p0 $0x88, s6;
	s7 =	simm.s32 @p2 $0x1082  }
0x22: {  	[simem:s7], [sflag:s8] =	dma.local @!p0 [hbm:s6], $0xF7A  }
0x23: {  	s9 =	sor.u32 $0xD0000000, s2;
	s6 =	simm.s32 $0x108;
	_ =	swait.ge @!p0 [sflag:s8], $0x0  }
0x24: {  	s3 =	sadd.s32 $0x88, s3;
	s6 =	simm.s32 @!p1 $0x1082;
	[sflag:s4] =	ssyncset.s32 $0xFFFFF086  }
0x25: {  	[simem:s6], [sflag:s4] =	dma.local [hbm:s3], $0xF7A  }
0x26: {  	[smem:$0x3F9F] =	sst s1;
	(tag) =	ssettag s2;
	_ =	strace s9  }
0x27: {  	s1 =	sld [smem:$0x3FAF]  }
0x28: {  	s2 =	sld [smem:$0x3FB0]  }
0x29: {  	s4 =	sld [smem:$0x3FB2]  }
0x2a: {  	p0 =	seq.s32 s5, $0x0;
	s5 =	sld [smem:$0x3FB3]  }
0x2b: {  	s6 =	sld [smem:$0x3FB4]  }
0x2c: {  	s7 =	sld [smem:$0x3FB5]  }
0x2d: {  	s3 =	simm.s32 $0x108;
	s8 =	sld [smem:$0x3FB6]  }
0x2e: {  	s3 =	simm.s32 @!p0 $0x1082;
	s9 =	sld [smem:$0x3FB7]  }
0x2f: {  	lr =	sadd.s32 s0, s3;
	s0 =	sld [smem:$0x3FAE]  }
0x30: {  	s3 =	sld [smem:$0x3FB1]  }
0x31: {  	[smem:$0x3FBA] =	sst s10  }
0x32: {  	s10 =	sld [smem:$0x3FB8];
	_ =	sdelay $0x3  }
0x33: {  	p0 =	seq.s32 s10, $0x1;
	s10 =	sld [smem:$0x3FBA];
	_ =	sdelay $0x3  }
0x34: {  	[smem:$0x3FBA] =	sst s10  }
0x35: {  	s10 =	sld [smem:$0x3FB9];
	_ =	sdelay $0x3  }
0x36: {  	p1 =	seq.s32 s10, $0x1;
	s10 =	sld [smem:$0x3FBA];
	_ =	sdelay $0x3  }
0x37: {  	[smem:$0x3FBA] =	sst s10  }
0x38: {  	s10 =	sld [smem:$0x3FBB]  }
0x39: {  	_ = 	snop;
	(pc) =	sbr.ind lr, $3  }
0x3a: {  	_ = 	snop  }
0x3b: {  	_ = 	snop  }
0x3c: {  	p2 =	seq.s32 s10, $0x1;
	s10 =	sld [smem:$0x3FBA]  }
0x3d: {  	_ =	shalt  }
0x3e: {  	_ =	shalt  }
0x3f: {  	_ =	shalt  }
0x40: {  	_ =	shalt  }
0x41: {  	_ =	shalt  }
0x42: {  	_ =	shalt  }
0x43: {  	_ =	shalt  }
0x44: {  	_ =	shalt  }
0x45: {  	_ =	shalt  }
0x46: {  	_ =	shalt  }
0x47: {  	_ =	shalt  }
0x48: {  	_ =	shalt  }
0x49: {  	_ =	shalt  }
0x4a: {  	_ =	shalt  }
0x4b: {  	_ =	shalt  }
0x4c: {  	_ =	shalt  }
0x4d: {  	_ =	shalt  }
0x4e: {  	_ =	shalt  }
0x4f: {  	_ =	shalt  }
0x50: {  	_ =	shalt  }
0x51: {  	_ =	shalt  }
0x52: {  	_ =	shalt  }
0x53: {  	_ =	shalt  }
0x54: {  	_ =	shalt  }
0x55: {  	_ =	shalt  }
0x56: {  	_ =	shalt  }
0x57: {  	_ =	shalt  }
0x58: {  	_ =	shalt  }
0x59: {  	_ =	shalt  }
0x5a: {  	_ =	shalt  }
0x5b: {  	_ =	shalt  }
0x5c: {  	_ =	shalt  }
0x5d: {  	_ =	shalt  }
0x5e: {  	_ =	shalt  }
0x5f: {  	_ =	shalt  }
0x60: {  	_ =	shalt  }
0x61: {  	_ =	shalt  }
0x62: {  	_ =	shalt  }
0x63: {  	_ =	shalt  }
0x64: {  	_ =	shalt  }
0x65: {  	_ =	shalt  }
0x66: {  	_ =	shalt  }
0x67: {  	_ =	shalt  }
0x68: {  	_ =	shalt  }
0x69: {  	_ =	shalt  }
0x6a: {  	_ =	shalt  }
0x6b: {  	_ =	shalt  }
0x6c: {  	_ =	shalt  }
0x6d: {  	_ =	shalt  }
0x6e: {  	_ =	shalt  }
0x6f: {  	_ =	shalt  }
0x70: {  	_ =	shalt  }
0x71: {  	_ =	shalt  }
0x72: {  	_ =	shalt  }
0x73: {  	_ =	shalt  }
0x74: {  	_ =	shalt  }
0x75: {  	_ =	shalt  }
0x76: {  	_ =	shalt  }
0x77: {  	_ =	shalt  }
0x78: {  	_ =	shalt  }
0x79: {  	_ =	shalt  }
0x7a: {  	_ =	shalt  }
0x7b: {  	_ =	shalt  }
0x7c: {  	_ =	shalt  }
0x7d: {  	_ =	shalt  }
0x7e: {  	_ =	shalt  }
0x7f: {  	_ =	shalt  }
0x80: {  	_ =	shalt  }
0x81: {  	_ =	shalt  }
0x82: {  	_ =	shalt  }
0x83: {  	_ =	shalt  }
0x84: {  	_ =	shalt  }
0x85: {  	_ =	shalt  }
0x86: {  	_ =	shalt  }
0x87: {  	_ =	shalt  }
.Lfunc_end0:
.L_simem_size_0:
called_computation_lowered:
.L_overlay_start_0:
0x88: {  	s2 =	sld [smem:$0x3FD9]  }
0x89: {  	s3 =	sld [smem:$0x3FFE];
	_ =	sdelay $0x1  }
0x8a: {  	s1 =	srdreg.scid  }
0x8b: {  	s0 =	sand.u32 $0x1, s1  }
0x8c: {  	s14 =	sshll.u32 s0, $0xA;
	s2 =	sadd.s32 s3, s2  }
0x8d: {  	s2 =	sadd.s32 s2, s14  }
0x8e: {  	[smem:$0x3FC6] =	sst s2  }
0x8f: {  	_ = 	snop  }
0x90: {  	s2 =	sld [smem:$0x3FD0];
	_ =	sdelay $0x2  }
0x91: {  	s4 =	simm.s32 $0xA;
	s5 =	simm.s32 $0x10;
	s15 =	sld [smem:$0x3FC8]  }
0x92: {  	[smem:s5], [sflag:s4] =	dma.local [hbm:s2], $0x1  }
0x93: {  	_ =	swait.eq [sflag:s4], $0x1  }
0x94: {  	s16 =	sld [smem:$0x10];
	[sflag:s4] =	ssyncset.done $0x0  }
0x95: {  	s17 =	sld [smem:$0x11];
	[sflag:s4] =	ssyncadd.s32 $0xFFFFFFFF  }
0x96: {  	s18 =	sld [smem:$0x12];
	(tm) =	ssettm $0x1  }
0x97: {  	s6 =	sld [smem:$0x3FFB];
	_ =	sdelay $0x3  }
0x98: {  	_ =	strace s6  }
0x99: {  	s6 =	sld [smem:$0x3FFC];
	_ =	sdelay $0x3  }
0x9a: {  	_ =	strace s6  }
0x9b: {  	s6 =	sld [smem:$0x3FFD];
	_ =	sdelay $0x3  }
0x9c: {  	_ =	strace s6  }
0x9d: {  	_ =	strace $0x8FFFFFFF  }
0x9e: {  	s19 =	sld [smem:$0x3FDB];
	_ =	sdelay $0x1  }
0x9f: {  	s7 =	simm.s32 $_scs_section_size  }
0xa0: {  	s8 =	simm.s32 $_size__tile_overlayer_lowered;
	s9 =	simm.s32 $_tile_overlayer_lowered  }
0xa1: {  	s22 =	simm.s32 $0x1BFF;
	s21 =	sshll.u32 s9, $0x1;
	s6 =	sadd.s32 s7, s19  }
0xa2: {  	s10 =	simm.s32 $0x0;
	s20 =	sshll.u32 s8, $0x1;
	s8 =	sadd.s32 s21, s6  }
0xa3: {  	[timem:s10], [sflag:s22] =	dma.local [hbm:s8], s20  }
0xa4: {  	_ =	swait.ge [sflag:s22], s20  }
0xa5: {  	s7 =	ssub.s32 $0x0, s20;
	[sflag:s22] =	ssyncset.done $0x0  }
0xa6: {  	[sflag:s22] =	ssyncadd.s32 s7;
	_ =	sdelay $0x1  }
0xa7: {  	s23 =	simm.s32 $0x1B8B  }
0xa8: {  	_ =	swait.ge [sflag:s23], $0x1  }
0xa9: {  	[sflag:s23] =	ssyncset.done $0x0  }
0xaa: {  	s25 =	simm.s32 $0x1B8E;
	s24 =	sld [smem:$0x3FFE];
	[sflag:s23] =	ssyncadd.s32 $0xFFFFFFFF  }
0xab: {  	s26 =	simm.s32 $execute0_lowered;
	[smem:$0x3FD2] =	sst s25  }
0xac: {  	s8 =	sshll.u32 s26, $0x1;
	_ =	strace $0x80000046;
	[dreg:$0x1] =	wrdreg $0xFFFFFFFF  }
0xad: {  	s28 =	simm.s32 $_size_execute0_lowered;
	s6 =	sadd.s32 s6, s8;
	[dreg:$0x0] =	wrdreg $0x0  }
0xae: {  	s8 =	sshll.u32 s28, $0x1;
	[dreg:$0x2] =	wrdreg s6  }
0xaf: {  	[dreg:$0x3] =	wrdreg s8  }
0xb0: {  	[dreg:$0x4] =	wrdreg $0xC0  }
0xb1: {  	_ =	task [dreg:s10], $0x5FFFF  }
0xb2: {  	[dreg:$0x1] =	wrdreg $0xFFFFFFFF  }
0xb3: {  	[dreg:$0x0] =	wrdreg $0x60  }
0xb4: {  	[dreg:$0x2] =	wrdreg s24  }
0xb5: {  	[dreg:$0x3] =	wrdreg s15  }
0xb6: {  	[dreg:$0x4] =	wrdreg s16  }
0xb7: {  	[dreg:$0x5] =	wrdreg s17  }
0xb8: {  	[dreg:$0x6] =	wrdreg s18  }
0xb9: {  	[dreg:$0x7] =	wrdreg $0x9  }
0xba: {  	_ =	task.clear_ibuf [dreg:s10], $0x8FFFF;
	_ =	strace $0x90000046  }
0xbb: {  	s29 =	simm.s32 $0x9;
	_ =	strace $0x80000048  }
0xbc: {  	_ =	swait.ge [sflag:s29], $0x1  }
0xbd: {  	[sflag:s29] =	ssyncadd.s32 $0xFFFFFFFF  }
0xbe: {  	_ =	strace $0x90000048  }
0xbf: {  	_ =	sfence  }
0xc0: {  	s30 =	sld [smem:$0x0];
	_ =	sdelay $0x2  }
0xc1: {  	s31 =	sshll.u32 s1, $0xD;
	s1 =	sshrl.u32 s1, $0x2  }
0xc2: {  	s3 =	sand.u32 $0x4000, s31;
	s1 =	sadd.s32 s1, s30  }
0xc3: {  	s0 =	sor.u32 s3, s0;
	s1 =	sshll.u32 s1, $0x11  }
0xc4: {  	s0 =	sor.u32 s1, s0  }
0xc5: {  	s0 =	sadd.s32 $0x8F2B, s0  }
0xc6: {  	[sflag:s0] =	ssyncadd.remote.s32 $0x1  }
0xc7: {  	_ =	sfence.sel $0xFFFF  }
0xc8: {  	[dreg:$0x0] =	wrdreg $0xFFFFFFFF;
	(pc) =	sbr.abs _section_cstart, $3  }
0xc9: {  	[dreg:$0x1] =	wrdreg $0xFFFFFFFF  }
0xca: {  	_ =	task.clear_ibuf [dreg:s10], $0x2FFFF;
	_ =	strace $0x9FFFFFFF  }
0xcb: {  	(tm) =	ssettm $0x7FFFFFFF  }
tec
execute0_lowered:
.L_overlay_start_1:
0x0: {  	(tag) =	ssettag $0x1  }
0x1: {  	s2 =	rddreg [dreg:$0x0]  }
0x2: {  	s1 =	rddreg [dreg:$0x1]  }
0x3: {  	s4 =	rddreg [dreg:$0x2];
	s3 =	srdreg.scid  }
0x4: {  	s5 =	rddreg [dreg:$0x3];
	s0 =	stileid.u32  }
0x5: {  	s7 =	rddreg [dreg:$0x4];
	s16 =	simm.s32 $0x200;
	s17 =	simm.s32 $0x280  }
0x6: {  	s18 =	simm.s32 $0x100;
	s6 =	sand.u32 $0x1, s3;
	s3 =	simm.s32 $0x0  }
0x7: {  	s19 =	simm.s32 $0x300;
	s28 =	simm.s32 $0xD;
	[smem:$0x7FF] =	sst s3  }
0x8: {  	s29 =	simm.s32 $0xE;
	_ =	strace $0x80000047;
	[dreg:$0x13] =	wrdreg s16  }
0x9: {  	s8 =	sshll.u32 s0, $0x7;
	s9 =	sshll.u32 s6, $0x6;
	[dreg:$0x14] =	wrdreg s17  }
0xa: {  	s30 =	simm.s32 $0xF;
	s8 =	sor.u32 s9, s8;
	[dreg:$0x15] =	wrdreg s18  }
0xb: {  	s31 =	simm.s32 $0x10;
	[dreg:$0x16] =	wrdreg s19;
	s21 =	sadd.s32 s4, s8  }
0xc: {  	s20 =	ssub.s32 $0x2, s6;
	s22 =	sadd.s32 s5, s8;
	[dreg:$0x7] =	wrdreg s21  }
0xd: {  	s2 =	sadd.s32 s8, s2;
	s23 =	sadd.s32 s7, s8;
	[dreg:$0x8] =	wrdreg s22  }
0xe: {  	s9 =	sor.u32 $0x10, s8;
	s2 =	sadd.s32 $0xA00, s2;
	[dreg:$0x9] =	wrdreg s23  }
0xf: {  	s6 =	simm.s32 $0x80;
	s24 =	sadd.s32 s4, s9;
	[dreg:$0x6] =	wrdreg s2  }
0x10: {  	s16 =	simm.s32 $0x5;
	s25 =	sadd.s32 s5, s9;
	[dreg:$0xa] =	wrdreg s24  }
0x11: {  	s0 =	sor.u32 $0x20, s8;
	s26 =	sadd.s32 s7, s9;
	[dreg:$0xb] =	wrdreg s25  }
0x12: {  	s17 =	simm.s32 $0x580;
	s10 =	sadd.s32 s4, s0;
	[dreg:$0xc] =	wrdreg s26  }
0x13: {  	s18 =	simm.s32 $0x780;
	s11 =	sadd.s32 s5, s0;
	[dreg:$0xd] =	wrdreg s10  }
0x14: {  	s8 =	sor.u32 $0x30, s8;
	s12 =	sadd.s32 s7, s0;
	[dreg:$0xe] =	wrdreg s11  }
0x15: {  	s19 =	simm.s32 $0x980;
	s13 =	sadd.s32 s4, s8;
	[dreg:$0xf] =	wrdreg s12  }
0x16: {  	s14 =	sadd.s32 s5, s8;
	s15 =	sadd.s32 s7, s8;
	[dreg:$0x10] =	wrdreg s13  }
0x17: {  	s21 =	simm.s32 $0x180;
	s22 =	sshrl.u32 s20, $0x1;
	[dreg:$0x11] =	wrdreg s14  }
0x18: {  	s23 =	simm.s32 $0x380;
	s5 =	simm.s32 $0x1;
	[dreg:$0x12] =	wrdreg s15  }
0x19: {  	s7 =	simm.s32 $0x2;
	s8 =	simm.s32 $0x3;
	[dreg:$0x17] =	wrdreg s21  }
0x1a: {  	s4 =	ssub.s32 s20, s22;
	[dreg:$0x18] =	wrdreg s23;
	s24 =	simm.s32 $0x400  }
0x1b: {  	s25 =	simm.s32 $0x600;
	s26 =	simm.s32 $0x800;
	s12 =	simm.s32 $0x4  }
0x1c: {  	s13 =	simm.s32 $0x500;
	s14 =	simm.s32 $0x700;
	s15 =	simm.s32 $0x900  }
0x1d: {  	s20 =	simm.s32 $0x6;
	s21 =	simm.s32 $0x7;
	[dreg:$0x19] =	wrdreg s24  }
0x1e: {  	s22 =	simm.s32 $0x8;
	s23 =	simm.s32 $0x9;
	[dreg:$0x1a] =	wrdreg s25  }
0x1f: {  	s2 =	simm.s32 $0x11;
	s4 =	smax.u32 s4, $0x1;
	[dreg:$0x1b] =	wrdreg s26  }
0x20: {  	v0 =	vimm.f32 $0.0e+00;
	s24 =	simm.s32 $0xA;
	s25 =	simm.s32 $0xB;
	s26 =	simm.s32 $0xC  }
.LBB2_1:
0x21: {  	s0 =	rddreg [dreg:$0x6]  }
0x22: {  	[tilespmem:s3], [sflag:$0x1] =	stream.linear.gather [hbm4b:s0+s3], $0x200, $0x38;
	[tilespmem:$0xA00] =	vst v63  }
0x23: {  	_ =	swait.ge [sflag:s5], $0x200  }
0x24: {  	s11 =	rddreg [dreg:$0x13]  }
0x25: {  	[sflag:s5] =	ssyncset.done $0x0;
	s9 =	rddreg [dreg:$0x14]  }
0x26: {  	s0 =	rddreg [dreg:$0x15];
	[sflag:s5] =	ssyncadd.s32 $0xFFFFFE00  }
0x27: {  	[tilespmem:s11], [sflag:$0x2] =	stream.indirect.gather [hbm4b:s1+s6], $0x1, s3, s6, $0xb8;
	[tilespmem:$0xA00] =	vst v63  }
0x28: {  	s10 =	rddreg [dreg:$0x17]  }
0x29: {  	[tilespmem:s9], [sflag:$0x3] =	stream.indirect.gather [hbm4b:s1+s6], $0x1, s6, s6, $0xb8;
	[tilespmem:$0xA00] =	vst v63  }
0x2a: {  	s9 =	rddreg [dreg:$0x16]  }
0x2b: {  	[tilespmem:s9], [sflag:$0x4] =	stream.indirect.gather [hbm4b:s1+s6], $0x1, s0, s6, $0xb8;
	[tilespmem:$0xA00] =	vst v63  }
0x2c: {  	s11 =	rddreg [dreg:$0x18]  }
0x2d: {  	[tilespmem:s11], [sflag:$0x5] =	stream.indirect.gather [hbm4b:s1+s6], $0x1, s10, s6, $0xb8;
	[tilespmem:$0xA00] =	vst v63  }
0x2e: {  	_ =	swait.ge [sflag:s7], $0x80  }
0x2f: {  	[sflag:s7] =	ssyncset.done $0x0  }
0x30: {  	[sflag:s7] =	ssyncadd.s32 $0xFFFFFF80  }
0x31: {  	v1 =	vld [tilespmem:$0x200];
	_ =	sdelay $0x4  }
0x32: {  	v2 =	vsub.f32 $0.0e+00, v1;
	_ =	sdelay $0x1  }
0x33: {  	v2 =	vmul.f32 $1.442695020e+00, v2;
	_ =	sdelay $0x1  }
0x34: {  	(erf) = vpow2.f32 v2;
	_ =	sdelay $0x3  }
0x35: {  	v2 =	vld [tilespmem:$0x210];
	_ =	sdelay $0x4  }
0x36: {  	v4 =	vsub.f32 $0.0e+00, v2;
	v3 =	vpop (erf)  }
0x37: {  	v3 =	vadd.f32 $1.000000000e+00, v3  }
0x38: {  	v4 =	vmul.f32 $1.442695020e+00, v4  }
0x39: {  	(erf) = vrcp.f32 v3  }
0x3a: {  	(erf) = vpow2.f32 v4;
	_ =	sdelay $0x3  }
0x3b: {  	v3 =	vld [tilespmem:$0x220];
	_ =	sdelay $0x3  }
0x3c: {  	v63 =	vpop (erf)  }
0x3d: {  	v6 =	vsub.f32 $0.0e+00, v3;
	v5 =	vpop (erf)  }
0x3e: {  	v5 =	vadd.f32 $1.000000000e+00, v5  }
0x3f: {  	v6 =	vmul.f32 $1.442695020e+00, v6  }
0x40: {  	(erf) = vrcp.f32 v5  }
0x41: {  	(erf) = vpow2.f32 v6;
	_ =	sdelay $0x3  }
0x42: {  	v20 =	vld [tilespmem:$0x230];
	_ =	sdelay $0x3  }
0x43: {  	v21 =	vpop (erf)  }
0x44: {  	v8 =	vsub.f32 $0.0e+00, v20;
	v7 =	vpop (erf)  }
0x45: {  	v7 =	vadd.f32 $1.000000000e+00, v7  }
0x46: {  	v8 =	vmul.f32 $1.442695020e+00, v8  }
0x47: {  	(erf) = vrcp.f32 v7  }
0x48: {  	(erf) = vpow2.f32 v8;
	_ =	sdelay $0x3  }
0x49: {  	v22 =	vld [tilespmem:$0x240];
	_ =	sdelay $0x3  }
0x4a: {  	v23 =	vpop (erf)  }
0x4b: {  	v10 =	vsub.f32 $0.0e+00, v22;
	v9 =	vpop (erf)  }
0x4c: {  	v9 =	vadd.f32 $1.000000000e+00, v9  }
0x4d: {  	v10 =	vmul.f32 $1.442695020e+00, v10  }
0x4e: {  	(erf) = vrcp.f32 v9  }
0x4f: {  	(erf) = vpow2.f32 v10;
	_ =	sdelay $0x3  }
0x50: {  	v24 =	vld [tilespmem:$0x250];
	_ =	sdelay $0x3  }
0x51: {  	v25 =	vpop (erf)  }
0x52: {  	v12 =	vsub.f32 $0.0e+00, v24;
	v11 =	vpop (erf)  }
0x53: {  	v11 =	vadd.f32 $1.000000000e+00, v11  }
0x54: {  	v12 =	vmul.f32 $1.442695020e+00, v12  }
0x55: {  	(erf) = vrcp.f32 v11  }
0x56: {  	(erf) = vpow2.f32 v12;
	_ =	sdelay $0x3  }
0x57: {  	v26 =	vld [tilespmem:$0x260];
	_ =	sdelay $0x3  }
0x58: {  	v27 =	vpop (erf)  }
0x59: {  	v14 =	vsub.f32 $0.0e+00, v26;
	v13 =	vpop (erf)  }
0x5a: {  	v13 =	vadd.f32 $1.000000000e+00, v13  }
0x5b: {  	v14 =	vmul.f32 $1.442695020e+00, v14  }
0x5c: {  	(erf) = vrcp.f32 v13  }
0x5d: {  	(erf) = vpow2.f32 v14;
	_ =	sdelay $0x3  }
0x5e: {  	v28 =	vld [tilespmem:$0x270];
	_ =	sdelay $0x3  }
0x5f: {  	v29 =	vpop (erf)  }
0x60: {  	v16 =	vsub.f32 $0.0e+00, v28;
	v15 =	vpop (erf)  }
0x61: {  	v15 =	vadd.f32 $1.000000000e+00, v15  }
0x62: {  	v16 =	vmul.f32 $1.442695020e+00, v16  }
0x63: {  	v1 =	vmax.f32 v1, $-1.611809540e+01;
	(erf) = vrcp.f32 v15  }
0x64: {  	v1 =	vmin.f32 v1, $1.594238470e+01;
	(erf) = vpow2.f32 v16  }
0x65: {  	v1 =	vmul.f32 $5.000000000e+00, v1;
	_ =	sdelay $0x1  }
0x66: {  	[tilespmem:$0x800] =	vst v1;
	v2 =	vmax.f32 v2, $-1.611809540e+01;
	vm9 =	vge.f32 v21, $5.000000000e-01  }
0x67: {  	v2 =	vmin.f32 v2, $1.594238470e+01;
	vm0 =	vge.f32 v63, $5.000000000e-01;
	[tilespmem:$0x600] =	vst v63;
	v1 =	vsel vm9, $0x3F800000, v0  }
0x68: {  	v30 =	vsel vm0, $0x3F800000, v0;
	[tilespmem:$0x410] =	vst v1;
	v1 =	vmul.f32 $5.000000000e+00, v2;
	v2 =	vmax.f32 v3, $-1.611809540e+01  }
0x69: {  	[tilespmem:$0x400] =	vst v30;
	v2 =	vmin.f32 v2, $1.594238470e+01;
	vm10 =	vge.f32 v23, $5.000000000e-01  }
0x6a: {  	[tilespmem:$0x810] =	vst v1;
	v1 =	vsel vm10, $0x3F800000, v0  }
0x6b: {  	[tilespmem:$0x420] =	vst v1;
	v1 =	vmul.f32 $5.000000000e+00, v2;
	v3 =	vpop (erf)  }
0x6c: {  	v31 =	vmax.f32 v20, $-1.611809540e+01;
	[tilespmem:$0x610] =	vst v21;
	vm11 =	vge.f32 v25, $5.000000000e-01;
	v2 =	vpop (erf)  }
0x6d: {  	v4 =	vmin.f32 v31, $1.594238470e+01;
	[tilespmem:$0x820] =	vst v1;
	v1 =	vsel vm11, $0x3F800000, v0;
	v2 =	vadd.f32 $1.000000000e+00, v2  }
0x6e: {  	[tilespmem:$0x430] =	vst v1;
	v1 =	vmul.f32 $5.000000000e+00, v4  }
0x6f: {  	[tilespmem:$0x620] =	vst v23;
	vm12 =	vge.f32 v27, $5.000000000e-01;
	(erf) = vrcp.f32 v2;
	v2 =	vmax.f32 v22, $-1.611809540e+01  }
0x70: {  	[tilespmem:$0x830] =	vst v1;
	v1 =	vsel vm12, $0x3F800000, v0;
	v2 =	vmin.f32 v2, $1.594238470e+01  }
0x71: {  	[tilespmem:$0x440] =	vst v1;
	v1 =	vmul.f32 $5.000000000e+00, v2  }
0x72: {  	[tilespmem:$0x630] =	vst v25;
	vm13 =	vge.f32 v29, $5.000000000e-01;
	v2 =	vmax.f32 v24, $-1.611809540e+01  }
0x73: {  	v2 =	vmin.f32 v2, $1.594238470e+01;
	[tilespmem:$0x840] =	vst v1;
	v1 =	vsel vm13, $0x3F800000, v0  }
0x74: {  	[tilespmem:$0x450] =	vst v1;
	v1 =	vmul.f32 $5.000000000e+00, v2;
	v2 =	vmax.f32 v26, $-1.611809540e+01  }
0x75: {  	[tilespmem:$0x640] =	vst v27;
	v2 =	vmin.f32 v2, $1.594238470e+01  }
0x76: {  	[tilespmem:$0x650] =	vst v29;
	vm14 =	vge.f32 v3, $5.000000000e-01  }
0x77: {  	[tilespmem:$0x850] =	vst v1;
	v1 =	vsel vm14, $0x3F800000, v0  }
0x78: {  	[tilespmem:$0x460] =	vst v1;
	v1 =	vmul.f32 $5.000000000e+00, v2;
	v2 =	vpop (erf)  }
0x79: {  	[tilespmem:$0x660] =	vst v3;
	v3 =	vmax.f32 v28, $-1.611809540e+01;
	vm15 =	vge.f32 v2, $5.000000000e-01  }
0x7a: {  	s10 =	rddreg [dreg:$0x7];
	v3 =	vmin.f32 v3, $1.594238470e+01;
	[tilespmem:$0x860] =	vst v1;
	v1 =	vsel vm15, $0x3F800000, v0  }
0x7b: {  	s11 =	rddreg [dreg:$0x19];
	[tilespmem:$0x470] =	vst v1;
	v1 =	vmul.f32 $5.000000000e+00, v3  }
0x7c: {  	s0 =	rddreg [dreg:$0x8];
	[tilespmem:$0x670] =	vst v2  }
0x7d: {  	s9 =	rddreg [dreg:$0x1a];
	[tilespmem:$0x870] =	vst v1  }
0x7e: {  	[hbm4b:s10+s3] =	stream.linear.scatter [tilespmem:s11], [sflag:$0x6], $0x80, $0x38;
	[tilespmem:$0xA00] =	vst v63  }
0x7f: {  	s10 =	rddreg [dreg:$0x9]  }
0x80: {  	[hbm4b:s0+s3] =	stream.linear.scatter [tilespmem:s9], [sflag:$0x7], $0x80, $0x38;
	[tilespmem:$0xA00] =	vst v63  }
0x81: {  	s11 =	rddreg [dreg:$0x1b]  }
0x82: {  	[hbm4b:s10+s3] =	stream.linear.scatter [tilespmem:s11], [sflag:$0x8], $0x80, $0x38;
	[tilespmem:$0xA00] =	vst v63  }
0x83: {  	_ =	swait.ge [sflag:s8], $0x80  }
0x84: {  	[sflag:s8] =	ssyncset.done $0x0  }
0x85: {  	[sflag:s8] =	ssyncadd.s32 $0xFFFFFF80  }
0x86: {  	v1 =	vld [tilespmem:$0x280];
	_ =	sdelay $0x4  }
0x87: {  	v2 =	vsub.f32 $0.0e+00, v1;
	_ =	sdelay $0x1  }
0x88: {  	v2 =	vmul.f32 $1.442695020e+00, v2;
	_ =	sdelay $0x1  }
0x89: {  	(erf) = vpow2.f32 v2;
	_ =	sdelay $0x3  }
0x8a: {  	v2 =	vld [tilespmem:$0x290];
	_ =	sdelay $0x4  }
0x8b: {  	v32 =	vsub.f32 $0.0e+00, v2;
	v3 =	vpop (erf)  }
0x8c: {  	v3 =	vadd.f32 $1.000000000e+00, v3  }
0x8d: {  	v4 =	vmul.f32 $1.442695020e+00, v32  }
0x8e: {  	(erf) = vrcp.f32 v3  }
0x8f: {  	(erf) = vpow2.f32 v4;
	_ =	sdelay $0x3  }
0x90: {  	v3 =	vld [tilespmem:$0x2A0];
	_ =	sdelay $0x3  }
0x91: {  	v33 =	vpop (erf)  }
0x92: {  	v35 =	vsub.f32 $0.0e+00, v3;
	v34 =	vpop (erf)  }
0x93: {  	v5 =	vadd.f32 $1.000000000e+00, v34  }
0x94: {  	v6 =	vmul.f32 $1.442695020e+00, v35  }
0x95: {  	(erf) = vrcp.f32 v5  }
0x96: {  	(erf) = vpow2.f32 v6;
	_ =	sdelay $0x3  }
0x97: {  	v36 =	vld [tilespmem:$0x2B0];
	_ =	sdelay $0x3  }
0x98: {  	v37 =	vpop (erf)  }
0x99: {  	v39 =	vsub.f32 $0.0e+00, v36;
	v38 =	vpop (erf)  }
0x9a: {  	v7 =	vadd.f32 $1.000000000e+00, v38  }
0x9b: {  	v8 =	vmul.f32 $1.442695020e+00, v39  }
0x9c: {  	(erf) = vrcp.f32 v7  }
0x9d: {  	(erf) = vpow2.f32 v8;
	_ =	sdelay $0x3  }
0x9e: {  	v40 =	vld [tilespmem:$0x2C0];
	_ =	sdelay $0x3  }
0x9f: {  	v41 =	vpop (erf)  }
0xa0: {  	v43 =	vsub.f32 $0.0e+00, v40;
	v42 =	vpop (erf)  }
0xa1: {  	v9 =	vadd.f32 $1.000000000e+00, v42  }
0xa2: {  	v10 =	vmul.f32 $1.442695020e+00, v43  }
0xa3: {  	(erf) = vrcp.f32 v9  }
0xa4: {  	(erf) = vpow2.f32 v10;
	_ =	sdelay $0x3  }
0xa5: {  	v44 =	vld [tilespmem:$0x2D0];
	_ =	sdelay $0x3  }
0xa6: {  	v45 =	vpop (erf)  }
0xa7: {  	v47 =	vsub.f32 $0.0e+00, v44;
	v46 =	vpop (erf)  }
0xa8: {  	v11 =	vadd.f32 $1.000000000e+00, v46  }
0xa9: {  	v12 =	vmul.f32 $1.442695020e+00, v47  }
0xaa: {  	(erf) = vrcp.f32 v11  }
0xab: {  	(erf) = vpow2.f32 v12;
	_ =	sdelay $0x3  }
0xac: {  	v48 =	vld [tilespmem:$0x2E0];
	_ =	sdelay $0x3  }
0xad: {  	v49 =	vpop (erf)  }
0xae: {  	v51 =	vsub.f32 $0.0e+00, v48;
	v50 =	vpop (erf)  }
0xaf: {  	v13 =	vadd.f32 $1.000000000e+00, v50  }
0xb0: {  	v14 =	vmul.f32 $1.442695020e+00, v51  }
0xb1: {  	(erf) = vrcp.f32 v13  }
0xb2: {  	(erf) = vpow2.f32 v14;
	_ =	sdelay $0x3  }
0xb3: {  	v52 =	vld [tilespmem:$0x2F0];
	_ =	sdelay $0x3  }
0xb4: {  	v53 =	vpop (erf)  }
0xb5: {  	v55 =	vsub.f32 $0.0e+00, v52;
	v54 =	vpop (erf)  }
0xb6: {  	v15 =	vadd.f32 $1.000000000e+00, v54  }
0xb7: {  	v16 =	vmul.f32 $1.442695020e+00, v55  }
0xb8: {  	v1 =	vmax.f32 v1, $-1.611809540e+01;
	(erf) = vrcp.f32 v15  }
0xb9: {  	v1 =	vmin.f32 v1, $1.594238470e+01;
	(erf) = vpow2.f32 v16  }
0xba: {  	v1 =	vmul.f32 $5.000000000e+00, v1;
	_ =	sdelay $0x1  }
0xbb: {  	[tilespmem:$0x880] =	vst v1;
	v2 =	vmax.f32 v2, $-1.611809540e+01;
	vm5 =	vge.f32 v37, $5.000000000e-01  }
0xbc: {  	v2 =	vmin.f32 v2, $1.594238470e+01;
	vm4 =	vge.f32 v33, $5.000000000e-01;
	[tilespmem:$0x680] =	vst v33;
	v1 =	vsel vm5, $0x3F800000, v0  }
0xbd: {  	v56 =	vsel vm4, $0x3F800000, v0;
	[tilespmem:$0x490] =	vst v1;
	v1 =	vmul.f32 $5.000000000e+00, v2;
	v2 =	vmax.f32 v3, $-1.611809540e+01  }
0xbe: {  	[tilespmem:$0x480] =	vst v56;
	v2 =	vmin.f32 v2, $1.594238470e+01;
	vm6 =	vge.f32 v41, $5.000000000e-01  }
0xbf: {  	[tilespmem:$0x890] =	vst v1;
	v1 =	vsel vm6, $0x3F800000, v0  }
0xc0: {  	[tilespmem:$0x4A0] =	vst v1;
	v1 =	vmul.f32 $5.000000000e+00, v2;
	v3 =	vpop (erf)  }
0xc1: {  	v57 =	vmax.f32 v36, $-1.611809540e+01;
	[tilespmem:$0x690] =	vst v37;
	vm7 =	vge.f32 v45, $5.000000000e-01;
	v2 =	vpop (erf)  }
0xc2: {  	v4 =	vmin.f32 v57, $1.594238470e+01;
	[tilespmem:$0x8A0] =	vst v1;
	v1 =	vsel vm7, $0x3F800000, v0;
	v2 =	vadd.f32 $1.000000000e+00, v2  }
0xc3: {  	[tilespmem:$0x4B0] =	vst v1;
	v1 =	vmul.f32 $5.000000000e+00, v4  }
0xc4: {  	[tilespmem:$0x6A0] =	vst v41;
	vm8 =	vge.f32 v49, $5.000000000e-01;
	(erf) = vrcp.f32 v2;
	v2 =	vmax.f32 v40, $-1.611809540e+01  }
0xc5: {  	[tilespmem:$0x8B0] =	vst v1;
	v1 =	vsel vm8, $0x3F800000, v0;
	v2 =	vmin.f32 v2, $1.594238470e+01  }
0xc6: {  	[tilespmem:$0x4C0] =	vst v1;
	v1 =	vmul.f32 $5.000000000e+00, v2  }
0xc7: {  	[tilespmem:$0x6B0] =	vst v45;
	vm9 =	vge.f32 v53, $5.000000000e-01;
	v2 =	vmax.f32 v44, $-1.611809540e+01  }
0xc8: {  	v2 =	vmin.f32 v2, $1.594238470e+01;
	[tilespmem:$0x8C0] =	vst v1;
	v1 =	vsel vm9, $0x3F800000, v0  }
0xc9: {  	[tilespmem:$0x4D0] =	vst v1;
	v1 =	vmul.f32 $5.000000000e+00, v2;
	v2 =	vmax.f32 v48, $-1.611809540e+01  }
0xca: {  	[tilespmem:$0x6C0] =	vst v49;
	v2 =	vmin.f32 v2, $1.594238470e+01  }
0xcb: {  	[tilespmem:$0x6D0] =	vst v53;
	vm10 =	vge.f32 v3, $5.000000000e-01  }
0xcc: {  	[tilespmem:$0x8D0] =	vst v1;
	v1 =	vsel vm10, $0x3F800000, v0  }
0xcd: {  	[tilespmem:$0x4E0] =	vst v1;
	v1 =	vmul.f32 $5.000000000e+00, v2;
	v2 =	vpop (erf)  }
0xce: {  	[tilespmem:$0x6E0] =	vst v3;
	v3 =	vmax.f32 v52, $-1.611809540e+01;
	vm11 =	vge.f32 v2, $5.000000000e-01  }
0xcf: {  	v3 =	vmin.f32 v3, $1.594238470e+01;
	[tilespmem:$0x8E0] =	vst v1;
	v1 =	vsel vm11, $0x3F800000, v0  }
0xd0: {  	[tilespmem:$0x4F0] =	vst v1;
	v1 =	vmul.f32 $5.000000000e+00, v3  }
0xd1: {  	[tilespmem:$0x6F0] =	vst v2  }
0xd2: {  	s11 =	simm.s32 $0x480;
	s10 =	rddreg [dreg:$0xa];
	[tilespmem:$0x8F0] =	vst v1  }
0xd3: {  	[hbm4b:s10+s3] =	stream.linear.scatter [tilespmem:s11], [sflag:$0x9], $0x80, $0x38;
	[tilespmem:$0xA00] =	vst v63  }
0xd4: {  	s9 =	rddreg [dreg:$0xb];
	s11 =	simm.s32 $0x680  }
0xd5: {  	[hbm4b:s9+s3] =	stream.linear.scatter [tilespmem:s11], [sflag:$0xA], $0x80, $0x38;
	[tilespmem:$0xA00] =	vst v63  }
0xd6: {  	s0 =	rddreg [dreg:$0xc];
	s11 =	simm.s32 $0x880  }
0xd7: {  	[hbm4b:s0+s3] =	stream.linear.scatter [tilespmem:s11], [sflag:$0xB], $0x80, $0x38;
	[tilespmem:$0xA00] =	vst v63  }
0xd8: {  	_ =	swait.ge [sflag:s12], $0x80  }
0xd9: {  	[sflag:s12] =	ssyncset.done $0x0  }
0xda: {  	[sflag:s12] =	ssyncadd.s32 $0xFFFFFF80  }
0xdb: {  	v1 =	vld [tilespmem:$0x300];
	_ =	sdelay $0x4  }
0xdc: {  	v2 =	vsub.f32 $0.0e+00, v1;
	_ =	sdelay $0x1  }
0xdd: {  	v2 =	vmul.f32 $1.442695020e+00, v2;
	_ =	sdelay $0x1  }
0xde: {  	(erf) = vpow2.f32 v2;
	_ =	sdelay $0x3  }
0xdf: {  	v2 =	vld [tilespmem:$0x310];
	_ =	sdelay $0x4  }
0xe0: {  	v58 =	vsub.f32 $0.0e+00, v2;
	v3 =	vpop (erf)  }
0xe1: {  	v3 =	vadd.f32 $1.000000000e+00, v3  }
0xe2: {  	v4 =	vmul.f32 $1.442695020e+00, v58  }
0xe3: {  	(erf) = vrcp.f32 v3  }
0xe4: {  	(erf) = vpow2.f32 v4;
	_ =	sdelay $0x3  }
0xe5: {  	v3 =	vld [tilespmem:$0x320];
	_ =	sdelay $0x3  }
0xe6: {  	v59 =	vpop (erf)  }
0xe7: {  	v61 =	vsub.f32 $0.0e+00, v3;
	v60 =	vpop (erf)  }
0xe8: {  	v5 =	vadd.f32 $1.000000000e+00, v60  }
0xe9: {  	v6 =	vmul.f32 $1.442695020e+00, v61  }
0xea: {  	(erf) = vrcp.f32 v5  }
0xeb: {  	(erf) = vpow2.f32 v6;
	_ =	sdelay $0x3  }
0xec: {  	v62 =	vld [tilespmem:$0x330];
	_ =	sdelay $0x3  }
0xed: {  	v63 =	vpop (erf)  }
0xee: {  	v19 =	vsub.f32 $0.0e+00, v62;
	v18 =	vpop (erf)  }
0xef: {  	v7 =	vadd.f32 $1.000000000e+00, v18  }
0xf0: {  	v8 =	vmul.f32 $1.442695020e+00, v19  }
0xf1: {  	(erf) = vrcp.f32 v7  }
0xf2: {  	(erf) = vpow2.f32 v8;
	_ =	sdelay $0x3  }
0xf3: {  	v20 =	vld [tilespmem:$0x340];
	_ =	sdelay $0x3  }
0xf4: {  	v21 =	vpop (erf)  }
0xf5: {  	v23 =	vsub.f32 $0.0e+00, v20;
	v22 =	vpop (erf)  }
0xf6: {  	v9 =	vadd.f32 $1.000000000e+00, v22  }
0xf7: {  	v10 =	vmul.f32 $1.442695020e+00, v23  }
0xf8: {  	(erf) = vrcp.f32 v9  }
0xf9: {  	(erf) = vpow2.f32 v10;
	_ =	sdelay $0x3  }
0xfa: {  	v24 =	vld [tilespmem:$0x350];
	_ =	sdelay $0x3  }
0xfb: {  	v25 =	vpop (erf)  }
0xfc: {  	v27 =	vsub.f32 $0.0e+00, v24;
	v26 =	vpop (erf)  }
0xfd: {  	v11 =	vadd.f32 $1.000000000e+00, v26  }
0xfe: {  	v12 =	vmul.f32 $1.442695020e+00, v27  }
0xff: {  	(erf) = vrcp.f32 v11  }
0x100: {  	(erf) = vpow2.f32 v12;
	_ =	sdelay $0x3  }
0x101: {  	v28 =	vld [tilespmem:$0x360];
	_ =	sdelay $0x3  }
0x102: {  	v29 =	vpop (erf)  }
0x103: {  	v31 =	vsub.f32 $0.0e+00, v28;
	v30 =	vpop (erf)  }
0x104: {  	v13 =	vadd.f32 $1.000000000e+00, v30  }
0x105: {  	v14 =	vmul.f32 $1.442695020e+00, v31  }
0x106: {  	(erf) = vrcp.f32 v13  }
0x107: {  	(erf) = vpow2.f32 v14;
	_ =	sdelay $0x3  }
0x108: {  	v32 =	vld [tilespmem:$0x370];
	_ =	sdelay $0x3  }
0x109: {  	v33 =	vpop (erf)  }
0x10a: {  	v35 =	vsub.f32 $0.0e+00, v32;
	v34 =	vpop (erf)  }
0x10b: {  	v15 =	vadd.f32 $1.000000000e+00, v34  }
0x10c: {  	v16 =	vmul.f32 $1.442695020e+00, v35  }
0x10d: {  	v1 =	vmax.f32 v1, $-1.611809540e+01;
	(erf) = vrcp.f32 v15  }
0x10e: {  	v1 =	vmin.f32 v1, $1.594238470e+01;
	(erf) = vpow2.f32 v16  }
0x10f: {  	v1 =	vmul.f32 $5.000000000e+00, v1;
	_ =	sdelay $0x1  }
0x110: {  	[tilespmem:$0x900] =	vst v1;
	v2 =	vmax.f32 v2, $-1.611809540e+01;
	vm13 =	vge.f32 v63, $5.000000000e-01  }
0x111: {  	v2 =	vmin.f32 v2, $1.594238470e+01;
	vm12 =	vge.f32 v59, $5.000000000e-01;
	[tilespmem:$0x700] =	vst v59;
	v1 =	vsel vm13, $0x3F800000, v0  }
0x112: {  	v36 =	vsel vm12, $0x3F800000, v0;
	[tilespmem:$0x510] =	vst v1;
	v1 =	vmul.f32 $5.000000000e+00, v2;
	v2 =	vmax.f32 v3, $-1.611809540e+01  }
0x113: {  	[tilespmem:$0x500] =	vst v36;
	v2 =	vmin.f32 v2, $1.594238470e+01;
	vm14 =	vge.f32 v21, $5.000000000e-01  }
0x114: {  	[tilespmem:$0x910] =	vst v1;
	v1 =	vsel vm14, $0x3F800000, v0  }
0x115: {  	[tilespmem:$0x520] =	vst v1;
	v1 =	vmul.f32 $5.000000000e+00, v2;
	v3 =	vpop (erf)  }
0x116: {  	v37 =	vmax.f32 v62, $-1.611809540e+01;
	[tilespmem:$0x710] =	vst v63;
	vm15 =	vge.f32 v25, $5.000000000e-01;
	v2 =	vpop (erf)  }
0x117: {  	v4 =	vmin.f32 v37, $1.594238470e+01;
	[tilespmem:$0x920] =	vst v1;
	v1 =	vsel vm15, $0x3F800000, v0;
	v2 =	vadd.f32 $1.000000000e+00, v2  }
0x118: {  	[tilespmem:$0x530] =	vst v1;
	v1 =	vmul.f32 $5.000000000e+00, v4  }
0x119: {  	[tilespmem:$0x720] =	vst v21;
	vm4 =	vge.f32 v29, $5.000000000e-01;
	(erf) = vrcp.f32 v2;
	v2 =	vmax.f32 v20, $-1.611809540e+01  }
0x11a: {  	[tilespmem:$0x930] =	vst v1;
	v1 =	vsel vm4, $0x3F800000, v0;
	v2 =	vmin.f32 v2, $1.594238470e+01  }
0x11b: {  	[tilespmem:$0x540] =	vst v1;
	v1 =	vmul.f32 $5.000000000e+00, v2  }
0x11c: {  	[tilespmem:$0x730] =	vst v25;
	vm5 =	vge.f32 v33, $5.000000000e-01;
	v2 =	vmax.f32 v24, $-1.611809540e+01  }
0x11d: {  	v2 =	vmin.f32 v2, $1.594238470e+01;
	[tilespmem:$0x940] =	vst v1;
	v1 =	vsel vm5, $0x3F800000, v0  }
0x11e: {  	[tilespmem:$0x550] =	vst v1;
	v1 =	vmul.f32 $5.000000000e+00, v2;
	v2 =	vmax.f32 v28, $-1.611809540e+01  }
0x11f: {  	[tilespmem:$0x740] =	vst v29;
	v2 =	vmin.f32 v2, $1.594238470e+01  }
0x120: {  	[tilespmem:$0x750] =	vst v33;
	vm6 =	vge.f32 v3, $5.000000000e-01  }
0x121: {  	[tilespmem:$0x950] =	vst v1;
	v1 =	vsel vm6, $0x3F800000, v0  }
0x122: {  	[tilespmem:$0x560] =	vst v1;
	v1 =	vmul.f32 $5.000000000e+00, v2;
	v2 =	vpop (erf)  }
0x123: {  	[tilespmem:$0x760] =	vst v3;
	v3 =	vmax.f32 v32, $-1.611809540e+01;
	vm7 =	vge.f32 v2, $5.000000000e-01  }
0x124: {  	v3 =	vmin.f32 v3, $1.594238470e+01;
	[tilespmem:$0x960] =	vst v1;
	v1 =	vsel vm7, $0x3F800000, v0  }
0x125: {  	[tilespmem:$0x570] =	vst v1;
	v1 =	vmul.f32 $5.000000000e+00, v3  }
0x126: {  	[tilespmem:$0x770] =	vst v2  }
0x127: {  	s9 =	rddreg [dreg:$0xd];
	[tilespmem:$0x970] =	vst v1  }
0x128: {  	[hbm4b:s9+s3] =	stream.linear.scatter [tilespmem:s13], [sflag:$0xC], $0x80, $0x38;
	[tilespmem:$0xA00] =	vst v63  }
0x129: {  	s10 =	rddreg [dreg:$0xe]  }
0x12a: {  	[hbm4b:s10+s3] =	stream.linear.scatter [tilespmem:s14], [sflag:$0xD], $0x80, $0x38;
	[tilespmem:$0xA00] =	vst v63  }
0x12b: {  	s11 =	rddreg [dreg:$0xf]  }
0x12c: {  	[hbm4b:s11+s3] =	stream.linear.scatter [tilespmem:s15], [sflag:$0xE], $0x80, $0x38;
	[tilespmem:$0xA00] =	vst v63  }
0x12d: {  	_ =	swait.ge [sflag:s16], $0x80  }
0x12e: {  	[sflag:s16] =	ssyncset.done $0x0  }
0x12f: {  	[sflag:s16] =	ssyncadd.s32 $0xFFFFFF80  }
0x130: {  	v1 =	vld [tilespmem:$0x380];
	_ =	sdelay $0x4  }
0x131: {  	v2 =	vsub.f32 $0.0e+00, v1;
	_ =	sdelay $0x1  }
0x132: {  	v2 =	vmul.f32 $1.442695020e+00, v2;
	_ =	sdelay $0x1  }
0x133: {  	(erf) = vpow2.f32 v2;
	_ =	sdelay $0x3  }
0x134: {  	v2 =	vld [tilespmem:$0x390];
	_ =	sdelay $0x4  }
0x135: {  	v38 =	vsub.f32 $0.0e+00, v2;
	v3 =	vpop (erf)  }
0x136: {  	v3 =	vadd.f32 $1.000000000e+00, v3  }
0x137: {  	v4 =	vmul.f32 $1.442695020e+00, v38  }
0x138: {  	(erf) = vrcp.f32 v3  }
0x139: {  	(erf) = vpow2.f32 v4;
	_ =	sdelay $0x3  }
0x13a: {  	v3 =	vld [tilespmem:$0x3A0];
	_ =	sdelay $0x3  }
0x13b: {  	v39 =	vpop (erf)  }
0x13c: {  	v41 =	vsub.f32 $0.0e+00, v3;
	v40 =	vpop (erf)  }
0x13d: {  	v5 =	vadd.f32 $1.000000000e+00, v40  }
0x13e: {  	v6 =	vmul.f32 $1.442695020e+00, v41  }
0x13f: {  	(erf) = vrcp.f32 v5  }
0x140: {  	(erf) = vpow2.f32 v6;
	_ =	sdelay $0x3  }
0x141: {  	v42 =	vld [tilespmem:$0x3B0];
	_ =	sdelay $0x3  }
0x142: {  	v43 =	vpop (erf)  }
0x143: {  	v45 =	vsub.f32 $0.0e+00, v42;
	v44 =	vpop (erf)  }
0x144: {  	v7 =	vadd.f32 $1.000000000e+00, v44  }
0x145: {  	v8 =	vmul.f32 $1.442695020e+00, v45  }
0x146: {  	(erf) = vrcp.f32 v7  }
0x147: {  	(erf) = vpow2.f32 v8;
	_ =	sdelay $0x3  }
0x148: {  	v46 =	vld [tilespmem:$0x3C0];
	_ =	sdelay $0x3  }
0x149: {  	v47 =	vpop (erf)  }
0x14a: {  	v49 =	vsub.f32 $0.0e+00, v46;
	v48 =	vpop (erf)  }
0x14b: {  	v9 =	vadd.f32 $1.000000000e+00, v48  }
0x14c: {  	v10 =	vmul.f32 $1.442695020e+00, v49  }
0x14d: {  	(erf) = vrcp.f32 v9  }
0x14e: {  	(erf) = vpow2.f32 v10;
	_ =	sdelay $0x3  }
0x14f: {  	v50 =	vld [tilespmem:$0x3D0];
	_ =	sdelay $0x3  }
0x150: {  	v51 =	vpop (erf)  }
0x151: {  	v53 =	vsub.f32 $0.0e+00, v50;
	v52 =	vpop (erf)  }
0x152: {  	v11 =	vadd.f32 $1.000000000e+00, v52  }
0x153: {  	v12 =	vmul.f32 $1.442695020e+00, v53  }
0x154: {  	(erf) = vrcp.f32 v11  }
0x155: {  	(erf) = vpow2.f32 v12;
	_ =	sdelay $0x3  }
0x156: {  	v54 =	vld [tilespmem:$0x3E0];
	_ =	sdelay $0x3  }
0x157: {  	v55 =	vpop (erf)  }
0x158: {  	v57 =	vsub.f32 $0.0e+00, v54;
	v56 =	vpop (erf)  }
0x159: {  	v13 =	vadd.f32 $1.000000000e+00, v56  }
0x15a: {  	v14 =	vmul.f32 $1.442695020e+00, v57  }
0x15b: {  	(erf) = vrcp.f32 v13  }
0x15c: {  	(erf) = vpow2.f32 v14;
	_ =	sdelay $0x3  }
0x15d: {  	v58 =	vld [tilespmem:$0x3F0];
	_ =	sdelay $0x3  }
0x15e: {  	v59 =	vpop (erf)  }
0x15f: {  	v61 =	vsub.f32 $0.0e+00, v58;
	v60 =	vpop (erf)  }
0x160: {  	v15 =	vadd.f32 $1.000000000e+00, v60  }
0x161: {  	v16 =	vmul.f32 $1.442695020e+00, v61  }
0x162: {  	v1 =	vmax.f32 v1, $-1.611809540e+01;
	(erf) = vrcp.f32 v15  }
0x163: {  	v1 =	vmin.f32 v1, $1.594238470e+01;
	(erf) = vpow2.f32 v16  }
0x164: {  	v1 =	vmul.f32 $5.000000000e+00, v1;
	_ =	sdelay $0x1  }
0x165: {  	[tilespmem:$0x980] =	vst v1;
	v2 =	vmax.f32 v2, $-1.611809540e+01;
	vm9 =	vge.f32 v43, $5.000000000e-01  }
0x166: {  	v2 =	vmin.f32 v2, $1.594238470e+01;
	vm8 =	vge.f32 v39, $5.000000000e-01;
	[tilespmem:$0x780] =	vst v39;
	v1 =	vsel vm9, $0x3F800000, v0  }
0x167: {  	v62 =	vsel vm8, $0x3F800000, v0;
	[tilespmem:$0x590] =	vst v1;
	v1 =	vmul.f32 $5.000000000e+00, v2;
	v2 =	vmax.f32 v3, $-1.611809540e+01  }
0x168: {  	[tilespmem:$0x580] =	vst v62;
	v2 =	vmin.f32 v2, $1.594238470e+01;
	vm10 =	vge.f32 v47, $5.000000000e-01  }
0x169: {  	[tilespmem:$0x990] =	vst v1;
	v1 =	vsel vm10, $0x3F800000, v0  }
0x16a: {  	[tilespmem:$0x5A0] =	vst v1;
	v1 =	vmul.f32 $5.000000000e+00, v2;
	v3 =	vpop (erf)  }
0x16b: {  	v63 =	vmax.f32 v42, $-1.611809540e+01;
	[tilespmem:$0x790] =	vst v43;
	vm11 =	vge.f32 v51, $5.000000000e-01;
	v2 =	vpop (erf)  }
0x16c: {  	v4 =	vmin.f32 v63, $1.594238470e+01;
	[tilespmem:$0x9A0] =	vst v1;
	v1 =	vsel vm11, $0x3F800000, v0;
	v2 =	vadd.f32 $1.000000000e+00, v2  }
0x16d: {  	[tilespmem:$0x5B0] =	vst v1;
	v1 =	vmul.f32 $5.000000000e+00, v4  }
0x16e: {  	[tilespmem:$0x7A0] =	vst v47;
	vm12 =	vge.f32 v55, $5.000000000e-01;
	(erf) = vrcp.f32 v2;
	v2 =	vmax.f32 v46, $-1.611809540e+01  }
0x16f: {  	[tilespmem:$0x9B0] =	vst v1;
	v1 =	vsel vm12, $0x3F800000, v0;
	v2 =	vmin.f32 v2, $1.594238470e+01  }
0x170: {  	[tilespmem:$0x5C0] =	vst v1;
	v1 =	vmul.f32 $5.000000000e+00, v2  }
0x171: {  	[tilespmem:$0x7B0] =	vst v51;
	vm13 =	vge.f32 v59, $5.000000000e-01;
	v2 =	vmax.f32 v50, $-1.611809540e+01  }
0x172: {  	v2 =	vmin.f32 v2, $1.594238470e+01;
	[tilespmem:$0x9C0] =	vst v1;
	v1 =	vsel vm13, $0x3F800000, v0  }
0x173: {  	[tilespmem:$0x5D0] =	vst v1;
	v1 =	vmul.f32 $5.000000000e+00, v2;
	v2 =	vmax.f32 v54, $-1.611809540e+01  }
0x174: {  	[tilespmem:$0x7C0] =	vst v55;
	v2 =	vmin.f32 v2, $1.594238470e+01  }
0x175: {  	[tilespmem:$0x7D0] =	vst v59;
	vm14 =	vge.f32 v3, $5.000000000e-01  }
0x176: {  	[tilespmem:$0x9D0] =	vst v1;
	v1 =	vsel vm14, $0x3F800000, v0  }
0x177: {  	[tilespmem:$0x5E0] =	vst v1;
	v1 =	vmul.f32 $5.000000000e+00, v2;
	v2 =	vpop (erf)  }
0x178: {  	[tilespmem:$0x7E0] =	vst v3;
	v3 =	vmax.f32 v58, $-1.611809540e+01;
	vm15 =	vge.f32 v2, $5.000000000e-01  }
0x179: {  	v3 =	vmin.f32 v3, $1.594238470e+01;
	[tilespmem:$0x9E0] =	vst v1;
	v1 =	vsel vm15, $0x3F800000, v0  }
0x17a: {  	[tilespmem:$0x5F0] =	vst v1;
	v1 =	vmul.f32 $5.000000000e+00, v3  }
0x17b: {  	[tilespmem:$0x7F0] =	vst v2  }
0x17c: {  	s9 =	rddreg [dreg:$0x10];
	[tilespmem:$0x9F0] =	vst v1  }
0x17d: {  	[hbm4b:s9+s3] =	stream.linear.scatter [tilespmem:s17], [sflag:$0xF], $0x80, $0x38;
	[tilespmem:$0xA00] =	vst v63  }
0x17e: {  	s10 =	rddreg [dreg:$0x11]  }
0x17f: {  	[hbm4b:s10+s3] =	stream.linear.scatter [tilespmem:s18], [sflag:$0x10], $0x80, $0x38;
	[tilespmem:$0xA00] =	vst v63  }
0x180: {  	s11 =	rddreg [dreg:$0x12]  }
0x181: {  	[hbm4b:s11+s3] =	stream.linear.scatter [tilespmem:s19], [sflag:$0x11], $0x80, $0x38;
	[tilespmem:$0xA00] =	vst v63  }
0x182: {  	_ =	swait.ge [sflag:s20], $0x80  }
0x183: {  	[sflag:s20] =	ssyncset.done $0x0  }
0x184: {  	[sflag:s20] =	ssyncadd.s32 $0xFFFFFF80  }
0x185: {  	_ =	swait.ge [sflag:s21], $0x80  }
0x186: {  	[sflag:s21] =	ssyncset.done $0x0  }
0x187: {  	[sflag:s21] =	ssyncadd.s32 $0xFFFFFF80  }
0x188: {  	_ =	swait.ge [sflag:s22], $0x80  }
0x189: {  	[sflag:s22] =	ssyncset.done $0x0  }
0x18a: {  	[sflag:s22] =	ssyncadd.s32 $0xFFFFFF80  }
0x18b: {  	_ =	swait.ge [sflag:s23], $0x80  }
0x18c: {  	[sflag:s23] =	ssyncset.done $0x0  }
0x18d: {  	[sflag:s23] =	ssyncadd.s32 $0xFFFFFF80  }
0x18e: {  	_ =	swait.ge [sflag:s24], $0x80  }
0x18f: {  	[sflag:s24] =	ssyncset.done $0x0  }
0x190: {  	[sflag:s24] =	ssyncadd.s32 $0xFFFFFF80  }
0x191: {  	_ =	swait.ge [sflag:s25], $0x80  }
0x192: {  	[sflag:s25] =	ssyncset.done $0x0  }
0x193: {  	[sflag:s25] =	ssyncadd.s32 $0xFFFFFF80  }
0x194: {  	_ =	swait.ge [sflag:s26], $0x80  }
0x195: {  	[sflag:s26] =	ssyncset.done $0x0  }
0x196: {  	[sflag:s26] =	ssyncadd.s32 $0xFFFFFF80  }
0x197: {  	_ =	swait.ge [sflag:s28], $0x80  }
0x198: {  	[sflag:s28] =	ssyncset.done $0x0  }
0x199: {  	[sflag:s28] =	ssyncadd.s32 $0xFFFFFF80  }
0x19a: {  	_ =	swait.ge [sflag:s29], $0x80  }
0x19b: {  	[sflag:s29] =	ssyncset.done $0x0  }
0x19c: {  	[sflag:s29] =	ssyncadd.s32 $0xFFFFFF80  }
0x19d: {  	_ =	swait.ge [sflag:s30], $0x80  }
0x19e: {  	[sflag:s30] =	ssyncset.done $0x0  }
0x19f: {  	[sflag:s30] =	ssyncadd.s32 $0xFFFFFF80  }
0x1a0: {  	p0 =	sne.s32 s4, $0x1;
	_ =	swait.ge [sflag:s31], $0x80  }
.Ltmp0:
0x1a1: {  	[sflag:s31] =	ssyncset.done $0x0;
	(pc) =	sbr.rel @p0 .LBB2_1-.Ltmp0, $4  }
0x1a2: {  	[sflag:s31] =	ssyncadd.s32 $0xFFFFFF80  }
0x1a3: {  	_ =	swait.ge [sflag:s2], $0x80  }
0x1a4: {  	[sflag:s2] =	ssyncset.done $0x0  }
0x1a5: {  	s4 =	sadd.s32 $0xFFFFFFFF, s4;
	[sflag:s2] =	ssyncadd.s32 $0xFFFFFF80  }
0x1a6: {  	_ =	sfence.sel $0x180000  }
0x1a7: {  	[bflag:$0x0] =	sbarrier.arrive $0xFFFF  }
0x1a8: {  	_ =	strace $0x90000047  }
0x1a9: {  	s0 =	stileid.u32;
	[bflag:$0x2] =	sbarrier.arrive $0xFFFF  }
0x1aa: {  	p0 =	sne.s32 s0, $0x0;
	s0 =	rddreg [dreg:$0x5]  }
0x1ab: {  	s0 =	sadd.s32 @!p0 $0x100000, s0  }
0x1ac: {  	[sflag:s0] =	ssyncadd.tile.s32 @!p0 $0x1;
	_ =	shalt  }
.Lfunc_end2:
_tile_overlayer_lowered:
.L_overlay_start_2:
0x1ad: {  	(tag) =	ssettag $0x2  }
0x1ae: {  	s0 =	rddreg [dreg:$0x0];
	s2 =	stileid.u32  }
0x1af: {  	s1 =	rddreg [dreg:$0x1];
	p0 =	sne.s32 s2, $0x0  }
0x1b0: {  	s3 =	rddreg [dreg:$0x2];
	[bflag:$0x3] =	sbarrier.arrive $0xFFFF;
	s2 =	simm.s32 @!p0 $0x1C12  }
0x1b1: {  	[timem:s3], [sflag:s2] =	dma.local @!p0 [hbm:s0], s1  }
0x1b2: {  	s0 =	simm.s32 @!p0 $0x12  }
0x1b3: {  	_ =	swait.ge @!p0 [sflag:s0], s1  }
0x1b4: {  	s1 =	ssub.s32 @!p0 $0x0, s1;
	[sflag:s0] =	ssyncset.done @!p0 $0x0  }
0x1b5: {  	[sflag:s0] =	ssyncadd.s32 @!p0 s1  }
0x1b6: {  	[bflag:$0x3] =	sbarrier.arrive $0xFFFF  }
0x1b7: {  	_ =	shalt  }

</sc_bundles>
